<compile_context>
chip_gen: v7x
topology: tpu7x:2x2x1
jax: 0.10.2.dev20260603
libtpu: 0.0.44.dev20260713+nightly
codegen_flags: <defaults>
</compile_context>

<pallas_src>
import functools

import jax
import jax.numpy as jnp
from jax import lax
from jax.experimental import pallas as pl
from jax.experimental.pallas import tpu as pltpu
from jax.experimental.pallas import tpu_sc as plsc

TOPK = 512
NROWS, NCOLS = 1024, 32768
LANES = 16
NVREG = NCOLS // LANES
NWORKERS = 32
ROWS_PER_W = NROWS // NWORKERS
UNROLL = 16
NCOPIES = 16


def _key_i32(xv):
    b = lax.bitcast_convert_type(xv, jnp.int32)
    m = lax.shift_right_arithmetic(b, 31)
    return lax.bitwise_xor(b, lax.bitwise_and(m, jnp.int32(2**31 - 1)))


def _sc_topk_mask(x):
    mesh = plsc.VectorSubcoreMesh(core_axis_name="c", subcore_axis_name="s")

    @functools.partial(
        pl.kernel,
        out_type=jax.ShapeDtypeStruct((NROWS, NCOLS), jnp.float32),
        mesh=mesh,
        compiler_params=pltpu.CompilerParams(needs_layout_passes=False),
        scratch_types=[
            pltpu.VMEM((NCOLS,), jnp.float32),
            pltpu.VMEM((NCOLS,), jnp.float32),
            pltpu.VMEM((NCOLS,), jnp.int32),
            pltpu.VMEM((NCOPIES * 256,), jnp.int32),
            pltpu.SemaphoreType.DMA,
            pltpu.SemaphoreType.DMA,
            pltpu.SemaphoreType.DMA,
            pltpu.SemaphoreType.DMA,
        ],
    )
    def sc_kernel(x_hbm, o_hbm, row_a, row_b, cand_v, hist_v,
                  in_a, in_b, out_a, out_b):
        wid = lax.axis_index("s") * 2 + lax.axis_index("c")
        row0 = wid * ROWS_PER_W
        lane = lax.iota(jnp.int32, LANES)
        lane_off = lane * 16
        ones = jnp.ones((LANES,), jnp.int32)
        zeros16 = jnp.zeros((LANES,), jnp.int32)
        fz = jnp.zeros((LANES,), jnp.float32)

        @plsc.parallel_loop(0, NCOPIES * 16, unroll=4)
        def _(j):
            hist_v[pl.ds(j * 16, 16)] = zeros16

        def merge_l0(kk):
            tot = zeros16

            def mrg(c, tot):
                for l in range(16):
                    o = c * 256 + l * 16
                    tot = tot + hist_v[pl.ds(o, 16)]
                    hist_v[pl.ds(o, 16)] = zeros16
                return tot

            tot = lax.fori_loop(0, NCOPIES, mrg, tot)
            return pick_bucket(tot, kk)

        def merge_l1(kk):
            tot = zeros16
            for l in range(16):
                o = l * 16
                tot = tot + hist_v[pl.ds(o, 16)]
                hist_v[pl.ds(o, 16)] = zeros16
            return pick_bucket(tot, kk)

        def pick_bucket(tot, kk):
            csum = plsc.cumsum(tot)
            total = jnp.sum(tot)
            g = total - csum
            b_splat = plsc.all_reduce_ffs(g < kk)
            b_mask = lane == b_splat
            g_b = jnp.sum(jnp.where(b_mask, g, 0))
            n_b = jnp.sum(jnp.where(b_mask, tot, 0))
            return b_splat, g_b, n_b

        def hist_level0(row_v):
            @plsc.parallel_loop(0, NVREG, unroll=UNROLL)
            def _(j):
                kv = _key_i32(row_v[pl.ds(j * 16, 16)])
                d = lax.shift_right_logical(kv, 28) ^ 8
                base = (j & (NCOPIES - 1)) * 256
                plsc.store_scatter(hist_v, [base + lane_off + d], ones)

            return merge_l0(jnp.int32(TOPK))

        def find_threshold(row_v, l0):
            return jnp.int32(0)

        def mask_row(row_v, prefix):
            tk = jnp.full((LANES,), prefix, jnp.int32)

            @plsc.parallel_loop(0, NVREG, unroll=UNROLL)
            def _(j):
                xv = row_v[pl.ds(j * 16, 16)]
                kv = _key_i32(xv)
                row_v[pl.ds(j * 16, 16)] = jnp.where(kv >= tk, xv, fz)

        def start_in(r, buf, sem):
            pltpu.async_copy(x_hbm.at[r], buf, sem)

        def wait_in(r, buf, sem):
            pltpu.make_async_copy(x_hbm.at[r], buf, sem).wait()

        def start_out(r, buf, sem):
            pltpu.async_copy(buf, o_hbm.at[r], sem)

        def wait_out(r, buf, sem):
            pltpu.make_async_copy(buf, o_hbm.at[r], sem).wait()

        start_in(row0, row_a, in_a)

        def row_pair(p, _):
            ra = row0 + 2 * p
            rb = ra + 1

            wait_in(ra, row_a, in_a)
            l0_a = hist_level0(row_a)

            @pl.when(p > 0)
            def _():
                wait_out(rb - 2, row_b, out_b)

            start_in(rb, row_b, in_b)
            tk_a = find_threshold(row_a, l0_a)
            mask_row(row_a, tk_a)
            start_out(ra, row_a, out_a)

            wait_in(rb, row_b, in_b)
            l0_b = hist_level0(row_b)

            @pl.when(p < ROWS_PER_W // 2 - 1)
            def _():
                wait_out(ra, row_a, out_a)
                start_in(ra + 2, row_a, in_a)

            tk_b = find_threshold(row_b, l0_b)
            mask_row(row_b, tk_b)
            start_out(rb, row_b, out_b)
            return 0

        lax.fori_loop(0, ROWS_PER_W // 2, row_pair, 0)

        last = row0 + ROWS_PER_W - 1
        wait_out(last - 1, row_a, out_a)
        wait_out(last, row_b, out_b)

    return sc_kernel(x)


@jax.jit
def kernel(x):
    return _sc_topk_mask(x)

# --- scband reference (transcript-rebuilt; emitter-appended) ---
"""Pipeline reference for scband-top-kneurons-31482110280061 (READ-ONLY COPY).

The authoritative reference and input builder live on the scoring server;
editing this copy changes nothing except your own understanding.
"""

import jax, jax.numpy as jnp
import numpy as np

K = 512

def setup_inputs(seed: int = 0) -> dict:
    key = jax.random.key(seed)
    x = jax.random.normal(key, (1024, 32768), dtype=jnp.float32)
    return {"x": x}

def reference(x):
    # TopK module: torch.topk along last dim, Identity postact, scatter values back into zeros
    vals, idx = jax.lax.top_k(x, K)
    rows = jnp.arange(x.shape[0])[:, None]
    result = jnp.zeros_like(x)
    result = result.at[rows, idx].set(vals)
    return result

if __name__ == "__main__":
    import jax
    _d = setup_inputs()
    print(jax.jit(kernel)(*tuple(_d.values())))

</pallas_src>

<mosaic_0001>
#map = affine_map<(d0, d1) -> (0, 0)>
module attributes {stable_mosaic.version = 14 : i64} {
  func.func @sc_kernel(%arg0: i32, %arg1: i32, %arg2: memref<1024x32768xf32, #tpu.memory_space<hbm>>, %arg3: memref<1024x32768xf32, #tpu.memory_space<hbm>>, %arg4: memref<32768xf32, #tpu.memory_space<vmem>>, %arg5: memref<32768xf32, #tpu.memory_space<vmem>>, %arg6: memref<32768xi32, #tpu.memory_space<vmem>>, %arg7: memref<4096xi32, #tpu.memory_space<vmem>>, %arg8: memref<!tpu.dma_semaphore, #tpu.memory_space<semaphore_mem>>, %arg9: memref<!tpu.dma_semaphore, #tpu.memory_space<semaphore_mem>>, %arg10: memref<!tpu.dma_semaphore, #tpu.memory_space<semaphore_mem>>, %arg11: memref<!tpu.dma_semaphore, #tpu.memory_space<semaphore_mem>>) attributes {dimension_semantics = [#tpu.dimension_semantics<core_parallel>, #tpu.dimension_semantics<subcore_parallel>], iteration_bounds = array<i64: 2, 16>, scalar_prefetch = 0 : i64, scratch_operands = 8 : i64, tpu.core_type = #tpu.core_type<sc_vector_subcore>, window_params = [{transform_indices = #map}, {transform_indices = #map}]} {
    %mul3A = arith.constant 2 : i32
    %mul3A_0 = arith.muli %arg1, %mul3A : i32
    %add3A = arith.addi %mul3A_0, %arg0 : i32
    %mul3A_1 = arith.constant 32 : i32
    %mul3A_2 = arith.muli %add3A, %mul3A_1 : i32
    %iota3A = tpu.iota {dimensions = array<i32: 0>} : vector<16xi32>
    %mul3A_3 = arith.constant 16 : i32
    %mul3A_4 = vector.broadcast %mul3A_3 : i32 to vector<16xi32>
    %mul3A_5 = arith.muli %iota3A, %mul3A_4 : vector<16xi32>
    %broadcast_in_dim3A = arith.constant 1 : i32
    %broadcast_in_dim3A_6 = vector.broadcast %broadcast_in_dim3A : i32 to vector<16xi32>
    %broadcast_in_dim3A_7 = arith.constant 0 : i32
    %broadcast_in_dim3A_8 = vector.broadcast %broadcast_in_dim3A_7 : i32 to vector<16xi32>
    %broadcast_in_dim3A_9 = arith.constant 0.000000e+00 : f32
    %broadcast_in_dim3A_10 = vector.broadcast %broadcast_in_dim3A_9 : f32 to vector<16xf32>
    %parallel_loop3A = arith.constant 0 : i32
    %parallel_loop3A_11 = arith.constant 256 : i32
    %parallel_loop3A_12 = arith.constant 1 : i32
    scf.for %parallel_loop3A_40 = %parallel_loop3A to %parallel_loop3A_11 step %parallel_loop3A_12  : i32 {
      %parallel_loop3A_41 = arith.constant 16 : i32
      %parallel_loop3A_42 = arith.muli %parallel_loop3A_40, %parallel_loop3A_41 : i32
      %parallel_loop3A_43 = arith.index_cast %parallel_loop3A_42 : i32 to index
      %parallel_loop3A_44 = tpu.vector_load %arg7[%parallel_loop3A_43] {strides = array<i32>} : memref<4096xi32, #tpu.memory_space<vmem>>, vector<16xi32>,
      tpu.vector_store %arg7[%parallel_loop3A_43], %broadcast_in_dim3A_8 {strides = array<i32>} : memref<4096xi32, #tpu.memory_space<vmem>>, vector<16xi32>,
    } {sc.loop_unroll_factor = 4 : i64, sc.parallel_access}
    %dma_start3A = arith.constant 0 : i32
    %dma_start3A_13 = tpu.memref_slice %arg2[%mul3A_2, %dma_start3A] : memref<1024x32768xf32, #tpu.memory_space<hbm>> -> memref<1x32768xf32, #tpu.memory_space<hbm>>
    %dma_start3A_14 = tpu.memref_squeeze %dma_start3A_13 : memref<1x32768xf32, #tpu.memory_space<hbm>> -> memref<32768xf32, #tpu.memory_space<hbm>>
    %dma_start3A_15 = arith.constant 0 : i32
    %dma_start3A_16 = tpu.memref_slice %arg2[%mul3A_2, %dma_start3A_15] : memref<1024x32768xf32, #tpu.memory_space<hbm>> -> memref<1x32768xf32, #tpu.memory_space<hbm>>
    %dma_start3A_17 = tpu.memref_squeeze %dma_start3A_16 : memref<1x32768xf32, #tpu.memory_space<hbm>> -> memref<32768xf32, #tpu.memory_space<hbm>>
    tpu.enqueue_dma source(%dma_start3A_17 : memref<32768xf32, #tpu.memory_space<hbm>>) target(%arg4 : memref<32768xf32, #tpu.memory_space<vmem>>) target_semaphore(%arg8 : memref<!tpu.dma_semaphore, #tpu.memory_space<semaphore_mem>>)
    %scan3A = arith.constant 0 : i32
    %scan3A_18 = arith.constant 0 : i32
    %scan3A_19 = arith.constant 16 : i32
    %scan3A_20 = arith.addi %scan3A_18, %scan3A_19 : i32
    %scan3A_21 = arith.constant 1 : i32
    %scan3A_22 = scf.for %scan3A_40 = %scan3A_18 to %scan3A_20 step %scan3A_21 iter_args(%scan3A_41 = %scan3A) -> (i32)  : i32 {
      %mul3A_42 = arith.constant 2 : i32
      %mul3A_43 = arith.muli %mul3A_42, %scan3A_40 : i32
      %add3A_44 = arith.addi %mul3A_2, %mul3A_43 : i32
      %add3A_45 = arith.constant 1 : i32
      %add3A_46 = arith.addi %add3A_44, %add3A_45 : i32
      %dma_wait3A_47 = arith.constant 0 : i32
      %dma_wait3A_48 = tpu.memref_slice %arg2[%add3A_44, %dma_wait3A_47] : memref<1024x32768xf32, #tpu.memory_space<hbm>> -> memref<1x32768xf32, #tpu.memory_space<hbm>>
      %dma_wait3A_49 = tpu.memref_squeeze %dma_wait3A_48 : memref<1x32768xf32, #tpu.memory_space<hbm>> -> memref<32768xf32, #tpu.memory_space<hbm>>
      %dma_wait3A_50 = arith.constant 0 : i32
      %dma_wait3A_51 = tpu.memref_slice %arg2[%add3A_44, %dma_wait3A_50] : memref<1024x32768xf32, #tpu.memory_space<hbm>> -> memref<1x32768xf32, #tpu.memory_space<hbm>>
      %dma_wait3A_52 = tpu.memref_squeeze %dma_wait3A_51 : memref<1x32768xf32, #tpu.memory_space<hbm>> -> memref<32768xf32, #tpu.memory_space<hbm>>
      tpu.wait_dma2 semaphore(%arg8 : memref<!tpu.dma_semaphore, #tpu.memory_space<semaphore_mem>>) src(%dma_wait3A_52 : memref<32768xf32, #tpu.memory_space<hbm>>) dst(%arg4 : memref<32768xf32, #tpu.memory_space<vmem>>)
      %parallel_loop3A_53 = arith.constant 0 : i32
      %parallel_loop3A_54 = arith.constant 2048 : i32
      %parallel_loop3A_55 = arith.constant 1 : i32
      scf.for %parallel_loop3A_162 = %parallel_loop3A_53 to %parallel_loop3A_54 step %parallel_loop3A_55  : i32 {
        %parallel_loop3A_163 = arith.constant 16 : i32
        %parallel_loop3A_164 = arith.muli %parallel_loop3A_162, %parallel_loop3A_163 : i32
        %parallel_loop3A_165 = arith.index_cast %parallel_loop3A_164 : i32 to index
        %parallel_loop3A_166 = tpu.vector_load %arg4[%parallel_loop3A_165] {strides = array<i32>} : memref<32768xf32, #tpu.memory_space<vmem>>, vector<16xf32>,
        %parallel_loop3A_167 = tpu.bitcast %parallel_loop3A_166 : vector<16xf32> -> vector<16xi32>
        %parallel_loop3A_168 = arith.constant 31 : i32
        %parallel_loop3A_169 = vector.broadcast %parallel_loop3A_168 : i32 to vector<16xi32>
        %parallel_loop3A_170 = arith.shrsi %parallel_loop3A_167, %parallel_loop3A_169 : vector<16xi32>
        %parallel_loop3A_171 = arith.constant 2147483647 : i32
        %parallel_loop3A_172 = vector.broadcast %parallel_loop3A_171 : i32 to vector<16xi32>
        %parallel_loop3A_173 = arith.andi %parallel_loop3A_170, %parallel_loop3A_172 : vector<16xi32>
        %parallel_loop3A_174 = arith.xori %parallel_loop3A_167, %parallel_loop3A_173 : vector<16xi32>
        %parallel_loop3A_175 = arith.constant 28 : i32
        %parallel_loop3A_176 = vector.broadcast %parallel_loop3A_175 : i32 to vector<16xi32>
        %parallel_loop3A_177 = arith.shrui %parallel_loop3A_174, %parallel_loop3A_176 : vector<16xi32>
        %parallel_loop3A_178 = arith.constant 8 : i32
        %parallel_loop3A_179 = vector.broadcast %parallel_loop3A_178 : i32 to vector<16xi32>
        %parallel_loop3A_180 = arith.xori %parallel_loop3A_177, %parallel_loop3A_179 : vector<16xi32>
        %parallel_loop3A_181 = arith.constant 15 : i32
        %parallel_loop3A_182 = arith.andi %parallel_loop3A_162, %parallel_loop3A_181 : i32
        %parallel_loop3A_183 = arith.constant 256 : i32
        %parallel_loop3A_184 = arith.muli %parallel_loop3A_182, %parallel_loop3A_183 : i32
        %parallel_loop3A_185 = vector.broadcast %parallel_loop3A_184 : i32 to vector<16xi32>
        %parallel_loop3A_186 = arith.addi %parallel_loop3A_185, %mul3A_5 : vector<16xi32>
        %parallel_loop3A_187 = arith.addi %parallel_loop3A_186, %parallel_loop3A_180 : vector<16xi32>
        tpu.vector_store_idx %arg7[%parallel_loop3A_187], %broadcast_in_dim3A_6 : memref<4096xi32, #tpu.memory_space<vmem>>[vector<16xi32>], vector<16xi32>,
      } {sc.loop_unroll_factor = 16 : i64, sc.parallel_access}
      %scan3A_56 = arith.constant 0 : i32
      %scan3A_57 = arith.constant 16 : i32
      %scan3A_58 = arith.addi %scan3A_56, %scan3A_57 : i32
      %scan3A_59 = arith.constant 1 : i32
      %scan3A_60 = scf.for %scan3A_162 = %scan3A_56 to %scan3A_58 step %scan3A_59 iter_args(%scan3A_163 = %broadcast_in_dim3A_8) -> (vector<16xi32>)  : i32 {
        %mul3A_164 = arith.constant 256 : i32
        %mul3A_165 = arith.muli %scan3A_162, %mul3A_164 : i32
        %add3A_166 = arith.constant 0 : i32
        %add3A_167 = arith.addi %mul3A_165, %add3A_166 : i32
        %get3A = arith.index_cast %add3A_167 : i32 to index
        %get3A_168 = tpu.vector_load %arg7[%get3A] {strides = array<i32>} : memref<4096xi32, #tpu.memory_space<vmem>>, vector<16xi32>,
        %add3A_169 = arith.addi %scan3A_163, %get3A_168 : vector<16xi32>
        %swap3A = arith.index_cast %add3A_167 : i32 to index
        %swap3A_170 = tpu.vector_load %arg7[%swap3A] {strides = array<i32>} : memref<4096xi32, #tpu.memory_space<vmem>>, vector<16xi32>,
        tpu.vector_store %arg7[%swap3A], %broadcast_in_dim3A_8 {strides = array<i32>} : memref<4096xi32, #tpu.memory_space<vmem>>, vector<16xi32>,
        %mul3A_171 = arith.constant 256 : i32
        %mul3A_172 = arith.muli %scan3A_162, %mul3A_171 : i32
        %add3A_173 = arith.constant 16 : i32
        %add3A_174 = arith.addi %mul3A_172, %add3A_173 : i32
        %get3A_175 = arith.index_cast %add3A_174 : i32 to index
        %get3A_176 = tpu.vector_load %arg7[%get3A_175] {strides = array<i32>} : memref<4096xi32, #tpu.memory_space<vmem>>, vector<16xi32>,
        %add3A_177 = arith.addi %add3A_169, %get3A_176 : vector<16xi32>
        %swap3A_178 = arith.index_cast %add3A_174 : i32 to index
        %swap3A_179 = tpu.vector_load %arg7[%swap3A_178] {strides = array<i32>} : memref<4096xi32, #tpu.memory_space<vmem>>, vector<16xi32>,
        tpu.vector_store %arg7[%swap3A_178], %broadcast_in_dim3A_8 {strides = array<i32>} : memref<4096xi32, #tpu.memory_space<vmem>>, vector<16xi32>,
        %mul3A_180 = arith.constant 256 : i32
        %mul3A_181 = arith.muli %scan3A_162, %mul3A_180 : i32
        %add3A_182 = arith.constant 32 : i32
        %add3A_183 = arith.addi %mul3A_181, %add3A_182 : i32
        %get3A_184 = arith.index_cast %add3A_183 : i32 to index
        %get3A_185 = tpu.vector_load %arg7[%get3A_184] {strides = array<i32>} : memref<4096xi32, #tpu.memory_space<vmem>>, vector<16xi32>,
        %add3A_186 = arith.addi %add3A_177, %get3A_185 : vector<16xi32>
        %swap3A_187 = arith.index_cast %add3A_183 : i32 to index
        %swap3A_188 = tpu.vector_load %arg7[%swap3A_187] {strides = array<i32>} : memref<4096xi32, #tpu.memory_space<vmem>>, vector<16xi32>,
        tpu.vector_store %arg7[%swap3A_187], %broadcast_in_dim3A_8 {strides = array<i32>} : memref<4096xi32, #tpu.memory_space<vmem>>, vector<16xi32>,
        %mul3A_189 = arith.constant 256 : i32
        %mul3A_190 = arith.muli %scan3A_162, %mul3A_189 : i32
        %add3A_191 = arith.constant 48 : i32
        %add3A_192 = arith.addi %mul3A_190, %add3A_191 : i32
        %get3A_193 = arith.index_cast %add3A_192 : i32 to index
        %get3A_194 = tpu.vector_load %arg7[%get3A_193] {strides = array<i32>} : memref<4096xi32, #tpu.memory_space<vmem>>, vector<16xi32>,
        %add3A_195 = arith.addi %add3A_186, %get3A_194 : vector<16xi32>
        %swap3A_196 = arith.index_cast %add3A_192 : i32 to index
        %swap3A_197 = tpu.vector_load %arg7[%swap3A_196] {strides = array<i32>} : memref<4096xi32, #tpu.memory_space<vmem>>, vector<16xi32>,
        tpu.vector_store %arg7[%swap3A_196], %broadcast_in_dim3A_8 {strides = array<i32>} : memref<4096xi32, #tpu.memory_space<vmem>>, vector<16xi32>,
        %mul3A_198 = arith.constant 256 : i32
        %mul3A_199 = arith.muli %scan3A_162, %mul3A_198 : i32
        %add3A_200 = arith.constant 64 : i32
        %add3A_201 = arith.addi %mul3A_199, %add3A_200 : i32
        %get3A_202 = arith.index_cast %add3A_201 : i32 to index
        %get3A_203 = tpu.vector_load %arg7[%get3A_202] {strides = array<i32>} : memref<4096xi32, #tpu.memory_space<vmem>>, vector<16xi32>,
        %add3A_204 = arith.addi %add3A_195, %get3A_203 : vector<16xi32>
        %swap3A_205 = arith.index_cast %add3A_201 : i32 to index
        %swap3A_206 = tpu.vector_load %arg7[%swap3A_205] {strides = array<i32>} : memref<4096xi32, #tpu.memory_space<vmem>>, vector<16xi32>,
        tpu.vector_store %arg7[%swap3A_205], %broadcast_in_dim3A_8 {strides = array<i32>} : memref<4096xi32, #tpu.memory_space<vmem>>, vector<16xi32>,
        %mul3A_207 = arith.constant 256 : i32
        %mul3A_208 = arith.muli %scan3A_162, %mul3A_207 : i32
        %add3A_209 = arith.constant 80 : i32
        %add3A_210 = arith.addi %mul3A_208, %add3A_209 : i32
        %get3A_211 = arith.index_cast %add3A_210 : i32 to index
        %get3A_212 = tpu.vector_load %arg7[%get3A_211] {strides = array<i32>} : memref<4096xi32, #tpu.memory_space<vmem>>, vector<16xi32>,
        %add3A_213 = arith.addi %add3A_204, %get3A_212 : vector<16xi32>
        %swap3A_214 = arith.index_cast %add3A_210 : i32 to index
        %swap3A_215 = tpu.vector_load %arg7[%swap3A_214] {strides = array<i32>} : memref<4096xi32, #tpu.memory_space<vmem>>, vector<16xi32>,
        tpu.vector_store %arg7[%swap3A_214], %broadcast_in_dim3A_8 {strides = array<i32>} : memref<4096xi32, #tpu.memory_space<vmem>>, vector<16xi32>,
        %mul3A_216 = arith.constant 256 : i32
        %mul3A_217 = arith.muli %scan3A_162, %mul3A_216 : i32
        %add3A_218 = arith.constant 96 : i32
        %add3A_219 = arith.addi %mul3A_217, %add3A_218 : i32
        %get3A_220 = arith.index_cast %add3A_219 : i32 to index
        %get3A_221 = tpu.vector_load %arg7[%get3A_220] {strides = array<i32>} : memref<4096xi32, #tpu.memory_space<vmem>>, vector<16xi32>,
        %add3A_222 = arith.addi %add3A_213, %get3A_221 : vector<16xi32>
        %swap3A_223 = arith.index_cast %add3A_219 : i32 to index
        %swap3A_224 = tpu.vector_load %arg7[%swap3A_223] {strides = array<i32>} : memref<4096xi32, #tpu.memory_space<vmem>>, vector<16xi32>,
        tpu.vector_store %arg7[%swap3A_223], %broadcast_in_dim3A_8 {strides = array<i32>} : memref<4096xi32, #tpu.memory_space<vmem>>, vector<16xi32>,
        %mul3A_225 = arith.constant 256 : i32
        %mul3A_226 = arith.muli %scan3A_162, %mul3A_225 : i32
        %add3A_227 = arith.constant 112 : i32
        %add3A_228 = arith.addi %mul3A_226, %add3A_227 : i32
        %get3A_229 = arith.index_cast %add3A_228 : i32 to index
        %get3A_230 = tpu.vector_load %arg7[%get3A_229] {strides = array<i32>} : memref<4096xi32, #tpu.memory_space<vmem>>, vector<16xi32>,
        %add3A_231 = arith.addi %add3A_222, %get3A_230 : vector<16xi32>
        %swap3A_232 = arith.index_cast %add3A_228 : i32 to index
        %swap3A_233 = tpu.vector_load %arg7[%swap3A_232] {strides = array<i32>} : memref<4096xi32, #tpu.memory_space<vmem>>, vector<16xi32>,
        tpu.vector_store %arg7[%swap3A_232], %broadcast_in_dim3A_8 {strides = array<i32>} : memref<4096xi32, #tpu.memory_space<vmem>>, vector<16xi32>,
        %mul3A_234 = arith.constant 256 : i32
        %mul3A_235 = arith.muli %scan3A_162, %mul3A_234 : i32
        %add3A_236 = arith.constant 128 : i32
        %add3A_237 = arith.addi %mul3A_235, %add3A_236 : i32
        %get3A_238 = arith.index_cast %add3A_237 : i32 to index
        %get3A_239 = tpu.vector_load %arg7[%get3A_238] {strides = array<i32>} : memref<4096xi32, #tpu.memory_space<vmem>>, vector<16xi32>,
        %add3A_240 = arith.addi %add3A_231, %get3A_239 : vector<16xi32>
        %swap3A_241 = arith.index_cast %add3A_237 : i32 to index
        %swap3A_242 = tpu.vector_load %arg7[%swap3A_241] {strides = array<i32>} : memref<4096xi32, #tpu.memory_space<vmem>>, vector<16xi32>,
        tpu.vector_store %arg7[%swap3A_241], %broadcast_in_dim3A_8 {strides = array<i32>} : memref<4096xi32, #tpu.memory_space<vmem>>, vector<16xi32>,
        %mul3A_243 = arith.constant 256 : i32
        %mul3A_244 = arith.muli %scan3A_162, %mul3A_243 : i32
        %add3A_245 = arith.constant 144 : i32
        %add3A_246 = arith.addi %mul3A_244, %add3A_245 : i32
        %get3A_247 = arith.index_cast %add3A_246 : i32 to index
        %get3A_248 = tpu.vector_load %arg7[%get3A_247] {strides = array<i32>} : memref<4096xi32, #tpu.memory_space<vmem>>, vector<16xi32>,
        %add3A_249 = arith.addi %add3A_240, %get3A_248 : vector<16xi32>
        %swap3A_250 = arith.index_cast %add3A_246 : i32 to index
        %swap3A_251 = tpu.vector_load %arg7[%swap3A_250] {strides = array<i32>} : memref<4096xi32, #tpu.memory_space<vmem>>, vector<16xi32>,
        tpu.vector_store %arg7[%swap3A_250], %broadcast_in_dim3A_8 {strides = array<i32>} : memref<4096xi32, #tpu.memory_space<vmem>>, vector<16xi32>,
        %mul3A_252 = arith.constant 256 : i32
        %mul3A_253 = arith.muli %scan3A_162, %mul3A_252 : i32
        %add3A_254 = arith.constant 160 : i32
        %add3A_255 = arith.addi %mul3A_253, %add3A_254 : i32
        %get3A_256 = arith.index_cast %add3A_255 : i32 to index
        %get3A_257 = tpu.vector_load %arg7[%get3A_256] {strides = array<i32>} : memref<4096xi32, #tpu.memory_space<vmem>>, vector<16xi32>,
        %add3A_258 = arith.addi %add3A_249, %get3A_257 : vector<16xi32>
        %swap3A_259 = arith.index_cast %add3A_255 : i32 to index
        %swap3A_260 = tpu.vector_load %arg7[%swap3A_259] {strides = array<i32>} : memref<4096xi32, #tpu.memory_space<vmem>>, vector<16xi32>,
        tpu.vector_store %arg7[%swap3A_259], %broadcast_in_dim3A_8 {strides = array<i32>} : memref<4096xi32, #tpu.memory_space<vmem>>, vector<16xi32>,
        %mul3A_261 = arith.constant 256 : i32
        %mul3A_262 = arith.muli %scan3A_162, %mul3A_261 : i32
        %add3A_263 = arith.constant 176 : i32
        %add3A_264 = arith.addi %mul3A_262, %add3A_263 : i32
        %get3A_265 = arith.index_cast %add3A_264 : i32 to index
        %get3A_266 = tpu.vector_load %arg7[%get3A_265] {strides = array<i32>} : memref<4096xi32, #tpu.memory_space<vmem>>, vector<16xi32>,
        %add3A_267 = arith.addi %add3A_258, %get3A_266 : vector<16xi32>
        %swap3A_268 = arith.index_cast %add3A_264 : i32 to index
        %swap3A_269 = tpu.vector_load %arg7[%swap3A_268] {strides = array<i32>} : memref<4096xi32, #tpu.memory_space<vmem>>, vector<16xi32>,
        tpu.vector_store %arg7[%swap3A_268], %broadcast_in_dim3A_8 {strides = array<i32>} : memref<4096xi32, #tpu.memory_space<vmem>>, vector<16xi32>,
        %mul3A_270 = arith.constant 256 : i32
        %mul3A_271 = arith.muli %scan3A_162, %mul3A_270 : i32
        %add3A_272 = arith.constant 192 : i32
        %add3A_273 = arith.addi %mul3A_271, %add3A_272 : i32
        %get3A_274 = arith.index_cast %add3A_273 : i32 to index
        %get3A_275 = tpu.vector_load %arg7[%get3A_274] {strides = array<i32>} : memref<4096xi32, #tpu.memory_space<vmem>>, vector<16xi32>,
        %add3A_276 = arith.addi %add3A_267, %get3A_275 : vector<16xi32>
        %swap3A_277 = arith.index_cast %add3A_273 : i32 to index
        %swap3A_278 = tpu.vector_load %arg7[%swap3A_277] {strides = array<i32>} : memref<4096xi32, #tpu.memory_space<vmem>>, vector<16xi32>,
        tpu.vector_store %arg7[%swap3A_277], %broadcast_in_dim3A_8 {strides = array<i32>} : memref<4096xi32, #tpu.memory_space<vmem>>, vector<16xi32>,
        %mul3A_279 = arith.constant 256 : i32
        %mul3A_280 = arith.muli %scan3A_162, %mul3A_279 : i32
        %add3A_281 = arith.constant 208 : i32
        %add3A_282 = arith.addi %mul3A_280, %add3A_281 : i32
        %get3A_283 = arith.index_cast %add3A_282 : i32 to index
        %get3A_284 = tpu.vector_load %arg7[%get3A_283] {strides = array<i32>} : memref<4096xi32, #tpu.memory_space<vmem>>, vector<16xi32>,
        %add3A_285 = arith.addi %add3A_276, %get3A_284 : vector<16xi32>
        %swap3A_286 = arith.index_cast %add3A_282 : i32 to index
        %swap3A_287 = tpu.vector_load %arg7[%swap3A_286] {strides = array<i32>} : memref<4096xi32, #tpu.memory_space<vmem>>, vector<16xi32>,
        tpu.vector_store %arg7[%swap3A_286], %broadcast_in_dim3A_8 {strides = array<i32>} : memref<4096xi32, #tpu.memory_space<vmem>>, vector<16xi32>,
        %mul3A_288 = arith.constant 256 : i32
        %mul3A_289 = arith.muli %scan3A_162, %mul3A_288 : i32
        %add3A_290 = arith.constant 224 : i32
        %add3A_291 = arith.addi %mul3A_289, %add3A_290 : i32
        %get3A_292 = arith.index_cast %add3A_291 : i32 to index
        %get3A_293 = tpu.vector_load %arg7[%get3A_292] {strides = array<i32>} : memref<4096xi32, #tpu.memory_space<vmem>>, vector<16xi32>,
        %add3A_294 = arith.addi %add3A_285, %get3A_293 : vector<16xi32>
        %swap3A_295 = arith.index_cast %add3A_291 : i32 to index
        %swap3A_296 = tpu.vector_load %arg7[%swap3A_295] {strides = array<i32>} : memref<4096xi32, #tpu.memory_space<vmem>>, vector<16xi32>,
        tpu.vector_store %arg7[%swap3A_295], %broadcast_in_dim3A_8 {strides = array<i32>} : memref<4096xi32, #tpu.memory_space<vmem>>, vector<16xi32>,
        %mul3A_297 = arith.constant 256 : i32
        %mul3A_298 = arith.muli %scan3A_162, %mul3A_297 : i32
        %add3A_299 = arith.constant 240 : i32
        %add3A_300 = arith.addi %mul3A_298, %add3A_299 : i32
        %get3A_301 = arith.index_cast %add3A_300 : i32 to index
        %get3A_302 = tpu.vector_load %arg7[%get3A_301] {strides = array<i32>} : memref<4096xi32, #tpu.memory_space<vmem>>, vector<16xi32>,
        %add3A_303 = arith.addi %add3A_294, %get3A_302 : vector<16xi32>
        %swap3A_304 = arith.index_cast %add3A_300 : i32 to index
        %swap3A_305 = tpu.vector_load %arg7[%swap3A_304] {strides = array<i32>} : memref<4096xi32, #tpu.memory_space<vmem>>, vector<16xi32>,
        tpu.vector_store %arg7[%swap3A_304], %broadcast_in_dim3A_8 {strides = array<i32>} : memref<4096xi32, #tpu.memory_space<vmem>>, vector<16xi32>,
        scf.yield %add3A_303 : vector<16xi32>
      }
      %scan3A_61 = arith.constant 16 : i32
      %broadcast_in_dim3A_62 = arith.constant true
      %broadcast_in_dim3A_63 = vector.broadcast %broadcast_in_dim3A_62 : i1 to vector<16xi1>
      %masked_cumsum3A = tpu.scan <sum>, %scan3A_60 masked %broadcast_in_dim3A_63 : vector<16xi32>, vector<16xi1> -> vector<16xi32>
      %reduce_sum3A = arith.constant true
      %reduce_sum3A_64 = vector.broadcast %reduce_sum3A : i1 to vector<16xi1>
      %reduce_sum3A_65 = tpu.scan <sum>, %scan3A_60 masked %reduce_sum3A_64 : vector<16xi32>, vector<16xi1> -> vector<16xi32>
      %reduce_sum3A_66 = vector.extract %reduce_sum3A_65[15] : i32 from vector<16xi32>
      %sub3A_67 = vector.broadcast %reduce_sum3A_66 : i32 to vector<16xi32>
      %sub3A_68 = arith.subi %sub3A_67, %masked_cumsum3A : vector<16xi32>
      %lt3A = arith.constant 512 : i32
      %lt3A_69 = vector.broadcast %lt3A : i32 to vector<16xi32>
      %lt3A_70 = arith.cmpi slt, %sub3A_68, %lt3A_69 : vector<16xi32>
      %all_reduce_ffs3A = tpu.all_reduce %lt3A_70 {dim = 0 : i64, kind = #tpu.reduction_kind<find_first_set>} : vector<16xi1> -> vector<16xi32>
      %eq3A = arith.cmpi eq, %iota3A, %all_reduce_ffs3A : vector<16xi32>
      %jit3A = arith.constant 0 : i32
      %broadcast_in_dim3A_71 = vector.broadcast %jit3A : i32 to vector<16xi32>
      %select_n3A = arith.select %eq3A, %sub3A_68, %broadcast_in_dim3A_71 : vector<16xi1>, vector<16xi32>
      %reduce_sum3A_72 = arith.constant true
      %reduce_sum3A_73 = vector.broadcast %reduce_sum3A_72 : i1 to vector<16xi1>
      %reduce_sum3A_74 = tpu.scan <sum>, %select_n3A masked %reduce_sum3A_73 : vector<16xi32>, vector<16xi1> -> vector<16xi32>
      %reduce_sum3A_75 = vector.extract %reduce_sum3A_74[15] : i32 from vector<16xi32>
      %jit3A_76 = arith.constant 0 : i32
      %broadcast_in_dim3A_77 = vector.broadcast %jit3A_76 : i32 to vector<16xi32>
      %select_n3A_78 = arith.select %eq3A, %scan3A_60, %broadcast_in_dim3A_77 : vector<16xi1>, vector<16xi32>
      %reduce_sum3A_79 = arith.constant true
      %reduce_sum3A_80 = vector.broadcast %reduce_sum3A_79 : i1 to vector<16xi1>
      %reduce_sum3A_81 = tpu.scan <sum>, %select_n3A_78 masked %reduce_sum3A_80 : vector<16xi32>, vector<16xi1> -> vector<16xi32>
      %reduce_sum3A_82 = vector.extract %reduce_sum3A_81[15] : i32 from vector<16xi32>
      %gt3A = arith.constant 0 : i32
      %gt3A_83 = arith.cmpi sgt, %scan3A_40, %gt3A : i32
      %convert_element_type3A = arith.extui %gt3A_83 : i1 to i32
      %cond3A = arith.constant 0 : i32
      %cond3A_84 = arith.cmpi ne, %convert_element_type3A, %cond3A : i32
      scf.if %cond3A_84 {
        %sub3A_162 = arith.constant 2 : i32
        %sub3A_163 = arith.subi %add3A_46, %sub3A_162 : i32
        %dma_wait3A_164 = arith.constant 0 : i32
        %dma_wait3A_165 = tpu.memref_slice %arg3[%sub3A_163, %dma_wait3A_164] : memref<1024x32768xf32, #tpu.memory_space<hbm>> -> memref<1x32768xf32, #tpu.memory_space<hbm>>
        %dma_wait3A_166 = tpu.memref_squeeze %dma_wait3A_165 : memref<1x32768xf32, #tpu.memory_space<hbm>> -> memref<32768xf32, #tpu.memory_space<hbm>>
        %dma_wait3A_167 = arith.constant 0 : i32
        %dma_wait3A_168 = tpu.memref_slice %arg3[%sub3A_163, %dma_wait3A_167] : memref<1024x32768xf32, #tpu.memory_space<hbm>> -> memref<1x32768xf32, #tpu.memory_space<hbm>>
        %dma_wait3A_169 = tpu.memref_squeeze %dma_wait3A_168 : memref<1x32768xf32, #tpu.memory_space<hbm>> -> memref<32768xf32, #tpu.memory_space<hbm>>
        tpu.wait_dma2 semaphore(%arg11 : memref<!tpu.dma_semaphore, #tpu.memory_space<semaphore_mem>>) src(%arg5 : memref<32768xf32, #tpu.memory_space<vmem>>) dst(%dma_wait3A_169 : memref<32768xf32, #tpu.memory_space<hbm>>)
      } else {
      }
      %dma_start3A_85 = arith.constant 0 : i32
      %dma_start3A_86 = tpu.memref_slice %arg2[%add3A_46, %dma_start3A_85] : memref<1024x32768xf32, #tpu.memory_space<hbm>> -> memref<1x32768xf32, #tpu.memory_space<hbm>>
      %dma_start3A_87 = tpu.memref_squeeze %dma_start3A_86 : memref<1x32768xf32, #tpu.memory_space<hbm>> -> memref<32768xf32, #tpu.memory_space<hbm>>
      %dma_start3A_88 = arith.constant 0 : i32
      %dma_start3A_89 = tpu.memref_slice %arg2[%add3A_46, %dma_start3A_88] : memref<1024x32768xf32, #tpu.memory_space<hbm>> -> memref<1x32768xf32, #tpu.memory_space<hbm>>
      %dma_start3A_90 = tpu.memref_squeeze %dma_start3A_89 : memref<1x32768xf32, #tpu.memory_space<hbm>> -> memref<32768xf32, #tpu.memory_space<hbm>>
      tpu.enqueue_dma source(%dma_start3A_90 : memref<32768xf32, #tpu.memory_space<hbm>>) target(%arg5 : memref<32768xf32, #tpu.memory_space<vmem>>) target_semaphore(%arg9 : memref<!tpu.dma_semaphore, #tpu.memory_space<semaphore_mem>>)
      %broadcast_in_dim3A_91 = arith.constant 0 : i32
      %broadcast_in_dim3A_92 = vector.broadcast %broadcast_in_dim3A_91 : i32 to vector<16xi32>
      %parallel_loop3A_93 = arith.constant 0 : i32
      %parallel_loop3A_94 = arith.constant 2048 : i32
      %parallel_loop3A_95 = arith.constant 1 : i32
      scf.for %parallel_loop3A_162 = %parallel_loop3A_93 to %parallel_loop3A_94 step %parallel_loop3A_95  : i32 {
        %parallel_loop3A_163 = arith.constant 16 : i32
        %parallel_loop3A_164 = arith.muli %parallel_loop3A_162, %parallel_loop3A_163 : i32
        %parallel_loop3A_165 = arith.index_cast %parallel_loop3A_164 : i32 to index
        %parallel_loop3A_166 = tpu.vector_load %arg4[%parallel_loop3A_165] {strides = array<i32>} : memref<32768xf32, #tpu.memory_space<vmem>>, vector<16xf32>,
        %parallel_loop3A_167 = tpu.bitcast %parallel_loop3A_166 : vector<16xf32> -> vector<16xi32>
        %parallel_loop3A_168 = arith.constant 31 : i32
        %parallel_loop3A_169 = vector.broadcast %parallel_loop3A_168 : i32 to vector<16xi32>
        %parallel_loop3A_170 = arith.shrsi %parallel_loop3A_167, %parallel_loop3A_169 : vector<16xi32>
        %parallel_loop3A_171 = arith.constant 2147483647 : i32
        %parallel_loop3A_172 = vector.broadcast %parallel_loop3A_171 : i32 to vector<16xi32>
        %parallel_loop3A_173 = arith.andi %parallel_loop3A_170, %parallel_loop3A_172 : vector<16xi32>
        %parallel_loop3A_174 = arith.xori %parallel_loop3A_167, %parallel_loop3A_173 : vector<16xi32>
        %parallel_loop3A_175 = arith.cmpi sge, %parallel_loop3A_174, %broadcast_in_dim3A_92 : vector<16xi32>
        %parallel_loop3A_176 = arith.select %parallel_loop3A_175, %parallel_loop3A_166, %broadcast_in_dim3A_10 : vector<16xi1>, vector<16xf32>
        %parallel_loop3A_177 = arith.constant 16 : i32
        %parallel_loop3A_178 = arith.muli %parallel_loop3A_162, %parallel_loop3A_177 : i32
        %parallel_loop3A_179 = arith.index_cast %parallel_loop3A_178 : i32 to index
        %parallel_loop3A_180 = tpu.vector_load %arg4[%parallel_loop3A_179] {strides = array<i32>} : memref<32768xf32, #tpu.memory_space<vmem>>, vector<16xf32>,
        tpu.vector_store %arg4[%parallel_loop3A_179], %parallel_loop3A_176 {strides = array<i32>} : memref<32768xf32, #tpu.memory_space<vmem>>, vector<16xf32>,
      } {sc.loop_unroll_factor = 16 : i64, sc.parallel_access}
      %dma_start3A_96 = arith.constant 0 : i32
      %dma_start3A_97 = tpu.memref_slice %arg3[%add3A_44, %dma_start3A_96] : memref<1024x32768xf32, #tpu.memory_space<hbm>> -> memref<1x32768xf32, #tpu.memory_space<hbm>>
      %dma_start3A_98 = tpu.memref_squeeze %dma_start3A_97 : memref<1x32768xf32, #tpu.memory_space<hbm>> -> memref<32768xf32, #tpu.memory_space<hbm>>
      %dma_start3A_99 = arith.constant 0 : i32
      %dma_start3A_100 = tpu.memref_slice %arg3[%add3A_44, %dma_start3A_99] : memref<1024x32768xf32, #tpu.memory_space<hbm>> -> memref<1x32768xf32, #tpu.memory_space<hbm>>
      %dma_start3A_101 = tpu.memref_squeeze %dma_start3A_100 : memref<1x32768xf32, #tpu.memory_space<hbm>> -> memref<32768xf32, #tpu.memory_space<hbm>>
      tpu.enqueue_dma source(%arg4 : memref<32768xf32, #tpu.memory_space<vmem>>) target(%dma_start3A_101 : memref<32768xf32, #tpu.memory_space<hbm>>) target_semaphore(%arg10 : memref<!tpu.dma_semaphore, #tpu.memory_space<semaphore_mem>>)
      %dma_wait3A_102 = arith.constant 0 : i32
      %dma_wait3A_103 = tpu.memref_slice %arg2[%add3A_46, %dma_wait3A_102] : memref<1024x32768xf32, #tpu.memory_space<hbm>> -> memref<1x32768xf32, #tpu.memory_space<hbm>>
      %dma_wait3A_104 = tpu.memref_squeeze %dma_wait3A_103 : memref<1x32768xf32, #tpu.memory_space<hbm>> -> memref<32768xf32, #tpu.memory_space<hbm>>
      %dma_wait3A_105 = arith.constant 0 : i32
      %dma_wait3A_106 = tpu.memref_slice %arg2[%add3A_46, %dma_wait3A_105] : memref<1024x32768xf32, #tpu.memory_space<hbm>> -> memref<1x32768xf32, #tpu.memory_space<hbm>>
      %dma_wait3A_107 = tpu.memref_squeeze %dma_wait3A_106 : memref<1x32768xf32, #tpu.memory_space<hbm>> -> memref<32768xf32, #tpu.memory_space<hbm>>
      tpu.wait_dma2 semaphore(%arg9 : memref<!tpu.dma_semaphore, #tpu.memory_space<semaphore_mem>>) src(%dma_wait3A_107 : memref<32768xf32, #tpu.memory_space<hbm>>) dst(%arg5 : memref<32768xf32, #tpu.memory_space<vmem>>)
      %parallel_loop3A_108 = arith.constant 0 : i32
      %parallel_loop3A_109 = arith.constant 2048 : i32
      %parallel_loop3A_110 = arith.constant 1 : i32
      scf.for %parallel_loop3A_162 = %parallel_loop3A_108 to %parallel_loop3A_109 step %parallel_loop3A_110  : i32 {
        %parallel_loop3A_163 = arith.constant 16 : i32
        %parallel_loop3A_164 = arith.muli %parallel_loop3A_162, %parallel_loop3A_163 : i32
        %parallel_loop3A_165 = arith.index_cast %parallel_loop3A_164 : i32 to index
        %parallel_loop3A_166 = tpu.vector_load %arg5[%parallel_loop3A_165] {strides = array<i32>} : memref<32768xf32, #tpu.memory_space<vmem>>, vector<16xf32>,
        %parallel_loop3A_167 = tpu.bitcast %parallel_loop3A_166 : vector<16xf32> -> vector<16xi32>
        %parallel_loop3A_168 = arith.constant 31 : i32
        %parallel_loop3A_169 = vector.broadcast %parallel_loop3A_168 : i32 to vector<16xi32>
        %parallel_loop3A_170 = arith.shrsi %parallel_loop3A_167, %parallel_loop3A_169 : vector<16xi32>
        %parallel_loop3A_171 = arith.constant 2147483647 : i32
        %parallel_loop3A_172 = vector.broadcast %parallel_loop3A_171 : i32 to vector<16xi32>
        %parallel_loop3A_173 = arith.andi %parallel_loop3A_170, %parallel_loop3A_172 : vector<16xi32>
        %parallel_loop3A_174 = arith.xori %parallel_loop3A_167, %parallel_loop3A_173 : vector<16xi32>
        %parallel_loop3A_175 = arith.constant 28 : i32
        %parallel_loop3A_176 = vector.broadcast %parallel_loop3A_175 : i32 to vector<16xi32>
        %parallel_loop3A_177 = arith.shrui %parallel_loop3A_174, %parallel_loop3A_176 : vector<16xi32>
        %parallel_loop3A_178 = arith.constant 8 : i32
        %parallel_loop3A_179 = vector.broadcast %parallel_loop3A_178 : i32 to vector<16xi32>
        %parallel_loop3A_180 = arith.xori %parallel_loop3A_177, %parallel_loop3A_179 : vector<16xi32>
        %parallel_loop3A_181 = arith.constant 15 : i32
        %parallel_loop3A_182 = arith.andi %parallel_loop3A_162, %parallel_loop3A_181 : i32
        %parallel_loop3A_183 = arith.constant 256 : i32
        %parallel_loop3A_184 = arith.muli %parallel_loop3A_182, %parallel_loop3A_183 : i32
        %parallel_loop3A_185 = vector.broadcast %parallel_loop3A_184 : i32 to vector<16xi32>
        %parallel_loop3A_186 = arith.addi %parallel_loop3A_185, %mul3A_5 : vector<16xi32>
        %parallel_loop3A_187 = arith.addi %parallel_loop3A_186, %parallel_loop3A_180 : vector<16xi32>
        tpu.vector_store_idx %arg7[%parallel_loop3A_187], %broadcast_in_dim3A_6 : memref<4096xi32, #tpu.memory_space<vmem>>[vector<16xi32>], vector<16xi32>,
      } {sc.loop_unroll_factor = 16 : i64, sc.parallel_access}
      %scan3A_111 = arith.constant 0 : i32
      %scan3A_112 = arith.constant 16 : i32
      %scan3A_113 = arith.addi %scan3A_111, %scan3A_112 : i32
      %scan3A_114 = arith.constant 1 : i32
      %scan3A_115 = scf.for %scan3A_162 = %scan3A_111 to %scan3A_113 step %scan3A_114 iter_args(%scan3A_163 = %broadcast_in_dim3A_8) -> (vector<16xi32>)  : i32 {
        %mul3A_164 = arith.constant 256 : i32
        %mul3A_165 = arith.muli %scan3A_162, %mul3A_164 : i32
        %add3A_166 = arith.constant 0 : i32
        %add3A_167 = arith.addi %mul3A_165, %add3A_166 : i32
        %get3A = arith.index_cast %add3A_167 : i32 to index
        %get3A_168 = tpu.vector_load %arg7[%get3A] {strides = array<i32>} : memref<4096xi32, #tpu.memory_space<vmem>>, vector<16xi32>,
        %add3A_169 = arith.addi %scan3A_163, %get3A_168 : vector<16xi32>
        %swap3A = arith.index_cast %add3A_167 : i32 to index
        %swap3A_170 = tpu.vector_load %arg7[%swap3A] {strides = array<i32>} : memref<4096xi32, #tpu.memory_space<vmem>>, vector<16xi32>,
        tpu.vector_store %arg7[%swap3A], %broadcast_in_dim3A_8 {strides = array<i32>} : memref<4096xi32, #tpu.memory_space<vmem>>, vector<16xi32>,
        %mul3A_171 = arith.constant 256 : i32
        %mul3A_172 = arith.muli %scan3A_162, %mul3A_171 : i32
        %add3A_173 = arith.constant 16 : i32
        %add3A_174 = arith.addi %mul3A_172, %add3A_173 : i32
        %get3A_175 = arith.index_cast %add3A_174 : i32 to index
        %get3A_176 = tpu.vector_load %arg7[%get3A_175] {strides = array<i32>} : memref<4096xi32, #tpu.memory_space<vmem>>, vector<16xi32>,
        %add3A_177 = arith.addi %add3A_169, %get3A_176 : vector<16xi32>
        %swap3A_178 = arith.index_cast %add3A_174 : i32 to index
        %swap3A_179 = tpu.vector_load %arg7[%swap3A_178] {strides = array<i32>} : memref<4096xi32, #tpu.memory_space<vmem>>, vector<16xi32>,
        tpu.vector_store %arg7[%swap3A_178], %broadcast_in_dim3A_8 {strides = array<i32>} : memref<4096xi32, #tpu.memory_space<vmem>>, vector<16xi32>,
        %mul3A_180 = arith.constant 256 : i32
        %mul3A_181 = arith.muli %scan3A_162, %mul3A_180 : i32
        %add3A_182 = arith.constant 32 : i32
        %add3A_183 = arith.addi %mul3A_181, %add3A_182 : i32
        %get3A_184 = arith.index_cast %add3A_183 : i32 to index
        %get3A_185 = tpu.vector_load %arg7[%get3A_184] {strides = array<i32>} : memref<4096xi32, #tpu.memory_space<vmem>>, vector<16xi32>,
        %add3A_186 = arith.addi %add3A_177, %get3A_185 : vector<16xi32>
        %swap3A_187 = arith.index_cast %add3A_183 : i32 to index
        %swap3A_188 = tpu.vector_load %arg7[%swap3A_187] {strides = array<i32>} : memref<4096xi32, #tpu.memory_space<vmem>>, vector<16xi32>,
        tpu.vector_store %arg7[%swap3A_187], %broadcast_in_dim3A_8 {strides = array<i32>} : memref<4096xi32, #tpu.memory_space<vmem>>, vector<16xi32>,
        %mul3A_189 = arith.constant 256 : i32
        %mul3A_190 = arith.muli %scan3A_162, %mul3A_189 : i32
        %add3A_191 = arith.constant 48 : i32
        %add3A_192 = arith.addi %mul3A_190, %add3A_191 : i32
        %get3A_193 = arith.index_cast %add3A_192 : i32 to index
        %get3A_194 = tpu.vector_load %arg7[%get3A_193] {strides = array<i32>} : memref<4096xi32, #tpu.memory_space<vmem>>, vector<16xi32>,
        %add3A_195 = arith.addi %add3A_186, %get3A_194 : vector<16xi32>
        %swap3A_196 = arith.index_cast %add3A_192 : i32 to index
        %swap3A_197 = tpu.vector_load %arg7[%swap3A_196] {strides = array<i32>} : memref<4096xi32, #tpu.memory_space<vmem>>, vector<16xi32>,
        tpu.vector_store %arg7[%swap3A_196], %broadcast_in_dim3A_8 {strides = array<i32>} : memref<4096xi32, #tpu.memory_space<vmem>>, vector<16xi32>,
        %mul3A_198 = arith.constant 256 : i32
        %mul3A_199 = arith.muli %scan3A_162, %mul3A_198 : i32
        %add3A_200 = arith.constant 64 : i32
        %add3A_201 = arith.addi %mul3A_199, %add3A_200 : i32
        %get3A_202 = arith.index_cast %add3A_201 : i32 to index
        %get3A_203 = tpu.vector_load %arg7[%get3A_202] {strides = array<i32>} : memref<4096xi32, #tpu.memory_space<vmem>>, vector<16xi32>,
        %add3A_204 = arith.addi %add3A_195, %get3A_203 : vector<16xi32>
        %swap3A_205 = arith.index_cast %add3A_201 : i32 to index
        %swap3A_206 = tpu.vector_load %arg7[%swap3A_205] {strides = array<i32>} : memref<4096xi32, #tpu.memory_space<vmem>>, vector<16xi32>,
        tpu.vector_store %arg7[%swap3A_205], %broadcast_in_dim3A_8 {strides = array<i32>} : memref<4096xi32, #tpu.memory_space<vmem>>, vector<16xi32>,
        %mul3A_207 = arith.constant 256 : i32
        %mul3A_208 = arith.muli %scan3A_162, %mul3A_207 : i32
        %add3A_209 = arith.constant 80 : i32
        %add3A_210 = arith.addi %mul3A_208, %add3A_209 : i32
        %get3A_211 = arith.index_cast %add3A_210 : i32 to index
        %get3A_212 = tpu.vector_load %arg7[%get3A_211] {strides = array<i32>} : memref<4096xi32, #tpu.memory_space<vmem>>, vector<16xi32>,
        %add3A_213 = arith.addi %add3A_204, %get3A_212 : vector<16xi32>
        %swap3A_214 = arith.index_cast %add3A_210 : i32 to index
        %swap3A_215 = tpu.vector_load %arg7[%swap3A_214] {strides = array<i32>} : memref<4096xi32, #tpu.memory_space<vmem>>, vector<16xi32>,
        tpu.vector_store %arg7[%swap3A_214], %broadcast_in_dim3A_8 {strides = array<i32>} : memref<4096xi32, #tpu.memory_space<vmem>>, vector<16xi32>,
        %mul3A_216 = arith.constant 256 : i32
        %mul3A_217 = arith.muli %scan3A_162, %mul3A_216 : i32
        %add3A_218 = arith.constant 96 : i32
        %add3A_219 = arith.addi %mul3A_217, %add3A_218 : i32
        %get3A_220 = arith.index_cast %add3A_219 : i32 to index
        %get3A_221 = tpu.vector_load %arg7[%get3A_220] {strides = array<i32>} : memref<4096xi32, #tpu.memory_space<vmem>>, vector<16xi32>,
        %add3A_222 = arith.addi %add3A_213, %get3A_221 : vector<16xi32>
        %swap3A_223 = arith.index_cast %add3A_219 : i32 to index
        %swap3A_224 = tpu.vector_load %arg7[%swap3A_223] {strides = array<i32>} : memref<4096xi32, #tpu.memory_space<vmem>>, vector<16xi32>,
        tpu.vector_store %arg7[%swap3A_223], %broadcast_in_dim3A_8 {strides = array<i32>} : memref<4096xi32, #tpu.memory_space<vmem>>, vector<16xi32>,
        %mul3A_225 = arith.constant 256 : i32
        %mul3A_226 = arith.muli %scan3A_162, %mul3A_225 : i32
        %add3A_227 = arith.constant 112 : i32
        %add3A_228 = arith.addi %mul3A_226, %add3A_227 : i32
        %get3A_229 = arith.index_cast %add3A_228 : i32 to index
        %get3A_230 = tpu.vector_load %arg7[%get3A_229] {strides = array<i32>} : memref<4096xi32, #tpu.memory_space<vmem>>, vector<16xi32>,
        %add3A_231 = arith.addi %add3A_222, %get3A_230 : vector<16xi32>
        %swap3A_232 = arith.index_cast %add3A_228 : i32 to index
        %swap3A_233 = tpu.vector_load %arg7[%swap3A_232] {strides = array<i32>} : memref<4096xi32, #tpu.memory_space<vmem>>, vector<16xi32>,
        tpu.vector_store %arg7[%swap3A_232], %broadcast_in_dim3A_8 {strides = array<i32>} : memref<4096xi32, #tpu.memory_space<vmem>>, vector<16xi32>,
        %mul3A_234 = arith.constant 256 : i32
        %mul3A_235 = arith.muli %scan3A_162, %mul3A_234 : i32
        %add3A_236 = arith.constant 128 : i32
        %add3A_237 = arith.addi %mul3A_235, %add3A_236 : i32
        %get3A_238 = arith.index_cast %add3A_237 : i32 to index
        %get3A_239 = tpu.vector_load %arg7[%get3A_238] {strides = array<i32>} : memref<4096xi32, #tpu.memory_space<vmem>>, vector<16xi32>,
        %add3A_240 = arith.addi %add3A_231, %get3A_239 : vector<16xi32>
        %swap3A_241 = arith.index_cast %add3A_237 : i32 to index
        %swap3A_242 = tpu.vector_load %arg7[%swap3A_241] {strides = array<i32>} : memref<4096xi32, #tpu.memory_space<vmem>>, vector<16xi32>,
        tpu.vector_store %arg7[%swap3A_241], %broadcast_in_dim3A_8 {strides = array<i32>} : memref<4096xi32, #tpu.memory_space<vmem>>, vector<16xi32>,
        %mul3A_243 = arith.constant 256 : i32
        %mul3A_244 = arith.muli %scan3A_162, %mul3A_243 : i32
        %add3A_245 = arith.constant 144 : i32
        %add3A_246 = arith.addi %mul3A_244, %add3A_245 : i32
        %get3A_247 = arith.index_cast %add3A_246 : i32 to index
        %get3A_248 = tpu.vector_load %arg7[%get3A_247] {strides = array<i32>} : memref<4096xi32, #tpu.memory_space<vmem>>, vector<16xi32>,
        %add3A_249 = arith.addi %add3A_240, %get3A_248 : vector<16xi32>
        %swap3A_250 = arith.index_cast %add3A_246 : i32 to index
        %swap3A_251 = tpu.vector_load %arg7[%swap3A_250] {strides = array<i32>} : memref<4096xi32, #tpu.memory_space<vmem>>, vector<16xi32>,
        tpu.vector_store %arg7[%swap3A_250], %broadcast_in_dim3A_8 {strides = array<i32>} : memref<4096xi32, #tpu.memory_space<vmem>>, vector<16xi32>,
        %mul3A_252 = arith.constant 256 : i32
        %mul3A_253 = arith.muli %scan3A_162, %mul3A_252 : i32
        %add3A_254 = arith.constant 160 : i32
        %add3A_255 = arith.addi %mul3A_253, %add3A_254 : i32
        %get3A_256 = arith.index_cast %add3A_255 : i32 to index
        %get3A_257 = tpu.vector_load %arg7[%get3A_256] {strides = array<i32>} : memref<4096xi32, #tpu.memory_space<vmem>>, vector<16xi32>,
        %add3A_258 = arith.addi %add3A_249, %get3A_257 : vector<16xi32>
        %swap3A_259 = arith.index_cast %add3A_255 : i32 to index
        %swap3A_260 = tpu.vector_load %arg7[%swap3A_259] {strides = array<i32>} : memref<4096xi32, #tpu.memory_space<vmem>>, vector<16xi32>,
        tpu.vector_store %arg7[%swap3A_259], %broadcast_in_dim3A_8 {strides = array<i32>} : memref<4096xi32, #tpu.memory_space<vmem>>, vector<16xi32>,
        %mul3A_261 = arith.constant 256 : i32
        %mul3A_262 = arith.muli %scan3A_162, %mul3A_261 : i32
        %add3A_263 = arith.constant 176 : i32
        %add3A_264 = arith.addi %mul3A_262, %add3A_263 : i32
        %get3A_265 = arith.index_cast %add3A_264 : i32 to index
        %get3A_266 = tpu.vector_load %arg7[%get3A_265] {strides = array<i32>} : memref<4096xi32, #tpu.memory_space<vmem>>, vector<16xi32>,
        %add3A_267 = arith.addi %add3A_258, %get3A_266 : vector<16xi32>
        %swap3A_268 = arith.index_cast %add3A_264 : i32 to index
        %swap3A_269 = tpu.vector_load %arg7[%swap3A_268] {strides = array<i32>} : memref<4096xi32, #tpu.memory_space<vmem>>, vector<16xi32>,
        tpu.vector_store %arg7[%swap3A_268], %broadcast_in_dim3A_8 {strides = array<i32>} : memref<4096xi32, #tpu.memory_space<vmem>>, vector<16xi32>,
        %mul3A_270 = arith.constant 256 : i32
        %mul3A_271 = arith.muli %scan3A_162, %mul3A_270 : i32
        %add3A_272 = arith.constant 192 : i32
        %add3A_273 = arith.addi %mul3A_271, %add3A_272 : i32
        %get3A_274 = arith.index_cast %add3A_273 : i32 to index
        %get3A_275 = tpu.vector_load %arg7[%get3A_274] {strides = array<i32>} : memref<4096xi32, #tpu.memory_space<vmem>>, vector<16xi32>,
        %add3A_276 = arith.addi %add3A_267, %get3A_275 : vector<16xi32>
        %swap3A_277 = arith.index_cast %add3A_273 : i32 to index
        %swap3A_278 = tpu.vector_load %arg7[%swap3A_277] {strides = array<i32>} : memref<4096xi32, #tpu.memory_space<vmem>>, vector<16xi32>,
        tpu.vector_store %arg7[%swap3A_277], %broadcast_in_dim3A_8 {strides = array<i32>} : memref<4096xi32, #tpu.memory_space<vmem>>, vector<16xi32>,
        %mul3A_279 = arith.constant 256 : i32
        %mul3A_280 = arith.muli %scan3A_162, %mul3A_279 : i32
        %add3A_281 = arith.constant 208 : i32
        %add3A_282 = arith.addi %mul3A_280, %add3A_281 : i32
        %get3A_283 = arith.index_cast %add3A_282 : i32 to index
        %get3A_284 = tpu.vector_load %arg7[%get3A_283] {strides = array<i32>} : memref<4096xi32, #tpu.memory_space<vmem>>, vector<16xi32>,
        %add3A_285 = arith.addi %add3A_276, %get3A_284 : vector<16xi32>
        %swap3A_286 = arith.index_cast %add3A_282 : i32 to index
        %swap3A_287 = tpu.vector_load %arg7[%swap3A_286] {strides = array<i32>} : memref<4096xi32, #tpu.memory_space<vmem>>, vector<16xi32>,
        tpu.vector_store %arg7[%swap3A_286], %broadcast_in_dim3A_8 {strides = array<i32>} : memref<4096xi32, #tpu.memory_space<vmem>>, vector<16xi32>,
        %mul3A_288 = arith.constant 256 : i32
        %mul3A_289 = arith.muli %scan3A_162, %mul3A_288 : i32
        %add3A_290 = arith.constant 224 : i32
        %add3A_291 = arith.addi %mul3A_289, %add3A_290 : i32
        %get3A_292 = arith.index_cast %add3A_291 : i32 to index
        %get3A_293 = tpu.vector_load %arg7[%get3A_292] {strides = array<i32>} : memref<4096xi32, #tpu.memory_space<vmem>>, vector<16xi32>,
        %add3A_294 = arith.addi %add3A_285, %get3A_293 : vector<16xi32>
        %swap3A_295 = arith.index_cast %add3A_291 : i32 to index
        %swap3A_296 = tpu.vector_load %arg7[%swap3A_295] {strides = array<i32>} : memref<4096xi32, #tpu.memory_space<vmem>>, vector<16xi32>,
        tpu.vector_store %arg7[%swap3A_295], %broadcast_in_dim3A_8 {strides = array<i32>} : memref<4096xi32, #tpu.memory_space<vmem>>, vector<16xi32>,
        %mul3A_297 = arith.constant 256 : i32
        %mul3A_298 = arith.muli %scan3A_162, %mul3A_297 : i32
        %add3A_299 = arith.constant 240 : i32
        %add3A_300 = arith.addi %mul3A_298, %add3A_299 : i32
        %get3A_301 = arith.index_cast %add3A_300 : i32 to index
        %get3A_302 = tpu.vector_load %arg7[%get3A_301] {strides = array<i32>} : memref<4096xi32, #tpu.memory_space<vmem>>, vector<16xi32>,
        %add3A_303 = arith.addi %add3A_294, %get3A_302 : vector<16xi32>
        %swap3A_304 = arith.index_cast %add3A_300 : i32 to index
        %swap3A_305 = tpu.vector_load %arg7[%swap3A_304] {strides = array<i32>} : memref<4096xi32, #tpu.memory_space<vmem>>, vector<16xi32>,
        tpu.vector_store %arg7[%swap3A_304], %broadcast_in_dim3A_8 {strides = array<i32>} : memref<4096xi32, #tpu.memory_space<vmem>>, vector<16xi32>,
        scf.yield %add3A_303 : vector<16xi32>
      }
      %scan3A_116 = arith.constant 16 : i32
      %broadcast_in_dim3A_117 = arith.constant true
      %broadcast_in_dim3A_118 = vector.broadcast %broadcast_in_dim3A_117 : i1 to vector<16xi1>
      %masked_cumsum3A_119 = tpu.scan <sum>, %scan3A_115 masked %broadcast_in_dim3A_118 : vector<16xi32>, vector<16xi1> -> vector<16xi32>
      %reduce_sum3A_120 = arith.constant true
      %reduce_sum3A_121 = vector.broadcast %reduce_sum3A_120 : i1 to vector<16xi1>
      %reduce_sum3A_122 = tpu.scan <sum>, %scan3A_115 masked %reduce_sum3A_121 : vector<16xi32>, vector<16xi1> -> vector<16xi32>
      %reduce_sum3A_123 = vector.extract %reduce_sum3A_122[15] : i32 from vector<16xi32>
      %sub3A_124 = vector.broadcast %reduce_sum3A_123 : i32 to vector<16xi32>
      %sub3A_125 = arith.subi %sub3A_124, %masked_cumsum3A_119 : vector<16xi32>
      %lt3A_126 = arith.constant 512 : i32
      %lt3A_127 = vector.broadcast %lt3A_126 : i32 to vector<16xi32>
      %lt3A_128 = arith.cmpi slt, %sub3A_125, %lt3A_127 : vector<16xi32>
      %all_reduce_ffs3A_129 = tpu.all_reduce %lt3A_128 {dim = 0 : i64, kind = #tpu.reduction_kind<find_first_set>} : vector<16xi1> -> vector<16xi32>
      %eq3A_130 = arith.cmpi eq, %iota3A, %all_reduce_ffs3A_129 : vector<16xi32>
      %jit3A_131 = arith.constant 0 : i32
      %broadcast_in_dim3A_132 = vector.broadcast %jit3A_131 : i32 to vector<16xi32>
      %select_n3A_133 = arith.select %eq3A_130, %sub3A_125, %broadcast_in_dim3A_132 : vector<16xi1>, vector<16xi32>
      %reduce_sum3A_134 = arith.constant true
      %reduce_sum3A_135 = vector.broadcast %reduce_sum3A_134 : i1 to vector<16xi1>
      %reduce_sum3A_136 = tpu.scan <sum>, %select_n3A_133 masked %reduce_sum3A_135 : vector<16xi32>, vector<16xi1> -> vector<16xi32>
      %reduce_sum3A_137 = vector.extract %reduce_sum3A_136[15] : i32 from vector<16xi32>
      %jit3A_138 = arith.constant 0 : i32
      %broadcast_in_dim3A_139 = vector.broadcast %jit3A_138 : i32 to vector<16xi32>
      %select_n3A_140 = arith.select %eq3A_130, %scan3A_115, %broadcast_in_dim3A_139 : vector<16xi1>, vector<16xi32>
      %reduce_sum3A_141 = arith.constant true
      %reduce_sum3A_142 = vector.broadcast %reduce_sum3A_141 : i1 to vector<16xi1>
      %reduce_sum3A_143 = tpu.scan <sum>, %select_n3A_140 masked %reduce_sum3A_142 : vector<16xi32>, vector<16xi1> -> vector<16xi32>
      %reduce_sum3A_144 = vector.extract %reduce_sum3A_143[15] : i32 from vector<16xi32>
      %lt3A_145 = arith.constant 15 : i32
      %lt3A_146 = arith.cmpi slt, %scan3A_40, %lt3A_145 : i32
      %convert_element_type3A_147 = arith.extui %lt3A_146 : i1 to i32
      %cond3A_148 = arith.constant 0 : i32
      %cond3A_149 = arith.cmpi ne, %convert_element_type3A_147, %cond3A_148 : i32
      scf.if %cond3A_149 {
        %dma_wait3A_162 = arith.constant 0 : i32
        %dma_wait3A_163 = tpu.memref_slice %arg3[%add3A_44, %dma_wait3A_162] : memref<1024x32768xf32, #tpu.memory_space<hbm>> -> memref<1x32768xf32, #tpu.memory_space<hbm>>
        %dma_wait3A_164 = tpu.memref_squeeze %dma_wait3A_163 : memref<1x32768xf32, #tpu.memory_space<hbm>> -> memref<32768xf32, #tpu.memory_space<hbm>>
        %dma_wait3A_165 = arith.constant 0 : i32
        %dma_wait3A_166 = tpu.memref_slice %arg3[%add3A_44, %dma_wait3A_165] : memref<1024x32768xf32, #tpu.memory_space<hbm>> -> memref<1x32768xf32, #tpu.memory_space<hbm>>
        %dma_wait3A_167 = tpu.memref_squeeze %dma_wait3A_166 : memref<1x32768xf32, #tpu.memory_space<hbm>> -> memref<32768xf32, #tpu.memory_space<hbm>>
        tpu.wait_dma2 semaphore(%arg10 : memref<!tpu.dma_semaphore, #tpu.memory_space<semaphore_mem>>) src(%arg4 : memref<32768xf32, #tpu.memory_space<vmem>>) dst(%dma_wait3A_167 : memref<32768xf32, #tpu.memory_space<hbm>>)
        %add3A_168 = arith.constant 2 : i32
        %add3A_169 = arith.addi %add3A_44, %add3A_168 : i32
        %dma_start3A_170 = arith.constant 0 : i32
        %dma_start3A_171 = tpu.memref_slice %arg2[%add3A_169, %dma_start3A_170] : memref<1024x32768xf32, #tpu.memory_space<hbm>> -> memref<1x32768xf32, #tpu.memory_space<hbm>>
        %dma_start3A_172 = tpu.memref_squeeze %dma_start3A_171 : memref<1x32768xf32, #tpu.memory_space<hbm>> -> memref<32768xf32, #tpu.memory_space<hbm>>
        %dma_start3A_173 = arith.constant 0 : i32
        %dma_start3A_174 = tpu.memref_slice %arg2[%add3A_169, %dma_start3A_173] : memref<1024x32768xf32, #tpu.memory_space<hbm>> -> memref<1x32768xf32, #tpu.memory_space<hbm>>
        %dma_start3A_175 = tpu.memref_squeeze %dma_start3A_174 : memref<1x32768xf32, #tpu.memory_space<hbm>> -> memref<32768xf32, #tpu.memory_space<hbm>>
        tpu.enqueue_dma source(%dma_start3A_175 : memref<32768xf32, #tpu.memory_space<hbm>>) target(%arg4 : memref<32768xf32, #tpu.memory_space<vmem>>) target_semaphore(%arg8 : memref<!tpu.dma_semaphore, #tpu.memory_space<semaphore_mem>>)
      } else {
      }
      %broadcast_in_dim3A_150 = arith.constant 0 : i32
      %broadcast_in_dim3A_151 = vector.broadcast %broadcast_in_dim3A_150 : i32 to vector<16xi32>
      %parallel_loop3A_152 = arith.constant 0 : i32
      %parallel_loop3A_153 = arith.constant 2048 : i32
      %parallel_loop3A_154 = arith.constant 1 : i32
      scf.for %parallel_loop3A_162 = %parallel_loop3A_152 to %parallel_loop3A_153 step %parallel_loop3A_154  : i32 {
        %parallel_loop3A_163 = arith.constant 16 : i32
        %parallel_loop3A_164 = arith.muli %parallel_loop3A_162, %parallel_loop3A_163 : i32
        %parallel_loop3A_165 = arith.index_cast %parallel_loop3A_164 : i32 to index
        %parallel_loop3A_166 = tpu.vector_load %arg5[%parallel_loop3A_165] {strides = array<i32>} : memref<32768xf32, #tpu.memory_space<vmem>>, vector<16xf32>,
        %parallel_loop3A_167 = tpu.bitcast %parallel_loop3A_166 : vector<16xf32> -> vector<16xi32>
        %parallel_loop3A_168 = arith.constant 31 : i32
        %parallel_loop3A_169 = vector.broadcast %parallel_loop3A_168 : i32 to vector<16xi32>
        %parallel_loop3A_170 = arith.shrsi %parallel_loop3A_167, %parallel_loop3A_169 : vector<16xi32>
        %parallel_loop3A_171 = arith.constant 2147483647 : i32
        %parallel_loop3A_172 = vector.broadcast %parallel_loop3A_171 : i32 to vector<16xi32>
        %parallel_loop3A_173 = arith.andi %parallel_loop3A_170, %parallel_loop3A_172 : vector<16xi32>
        %parallel_loop3A_174 = arith.xori %parallel_loop3A_167, %parallel_loop3A_173 : vector<16xi32>
        %parallel_loop3A_175 = arith.cmpi sge, %parallel_loop3A_174, %broadcast_in_dim3A_151 : vector<16xi32>
        %parallel_loop3A_176 = arith.select %parallel_loop3A_175, %parallel_loop3A_166, %broadcast_in_dim3A_10 : vector<16xi1>, vector<16xf32>
        %parallel_loop3A_177 = arith.constant 16 : i32
        %parallel_loop3A_178 = arith.muli %parallel_loop3A_162, %parallel_loop3A_177 : i32
        %parallel_loop3A_179 = arith.index_cast %parallel_loop3A_178 : i32 to index
        %parallel_loop3A_180 = tpu.vector_load %arg5[%parallel_loop3A_179] {strides = array<i32>} : memref<32768xf32, #tpu.memory_space<vmem>>, vector<16xf32>,
        tpu.vector_store %arg5[%parallel_loop3A_179], %parallel_loop3A_176 {strides = array<i32>} : memref<32768xf32, #tpu.memory_space<vmem>>, vector<16xf32>,
      } {sc.loop_unroll_factor = 16 : i64, sc.parallel_access}
      %dma_start3A_155 = arith.constant 0 : i32
      %dma_start3A_156 = tpu.memref_slice %arg3[%add3A_46, %dma_start3A_155] : memref<1024x32768xf32, #tpu.memory_space<hbm>> -> memref<1x32768xf32, #tpu.memory_space<hbm>>
      %dma_start3A_157 = tpu.memref_squeeze %dma_start3A_156 : memref<1x32768xf32, #tpu.memory_space<hbm>> -> memref<32768xf32, #tpu.memory_space<hbm>>
      %dma_start3A_158 = arith.constant 0 : i32
      %dma_start3A_159 = tpu.memref_slice %arg3[%add3A_46, %dma_start3A_158] : memref<1024x32768xf32, #tpu.memory_space<hbm>> -> memref<1x32768xf32, #tpu.memory_space<hbm>>
      %dma_start3A_160 = tpu.memref_squeeze %dma_start3A_159 : memref<1x32768xf32, #tpu.memory_space<hbm>> -> memref<32768xf32, #tpu.memory_space<hbm>>
      tpu.enqueue_dma source(%arg5 : memref<32768xf32, #tpu.memory_space<vmem>>) target(%dma_start3A_160 : memref<32768xf32, #tpu.memory_space<hbm>>) target_semaphore(%arg11 : memref<!tpu.dma_semaphore, #tpu.memory_space<semaphore_mem>>)
      %scan3A_161 = arith.constant 0 : i32
      scf.yield %scan3A_161 : i32
    }
    %scan3A_23 = arith.constant 16 : i32
    %add3A_24 = arith.constant 32 : i32
    %add3A_25 = arith.addi %mul3A_2, %add3A_24 : i32
    %sub3A = arith.constant 1 : i32
    %sub3A_26 = arith.subi %add3A_25, %sub3A : i32
    %sub3A_27 = arith.constant 1 : i32
    %sub3A_28 = arith.subi %sub3A_26, %sub3A_27 : i32
    %dma_wait3A = arith.constant 0 : i32
    %dma_wait3A_29 = tpu.memref_slice %arg3[%sub3A_28, %dma_wait3A] : memref<1024x32768xf32, #tpu.memory_space<hbm>> -> memref<1x32768xf32, #tpu.memory_space<hbm>>
    %dma_wait3A_30 = tpu.memref_squeeze %dma_wait3A_29 : memref<1x32768xf32, #tpu.memory_space<hbm>> -> memref<32768xf32, #tpu.memory_space<hbm>>
    %dma_wait3A_31 = arith.constant 0 : i32
    %dma_wait3A_32 = tpu.memref_slice %arg3[%sub3A_28, %dma_wait3A_31] : memref<1024x32768xf32, #tpu.memory_space<hbm>> -> memref<1x32768xf32, #tpu.memory_space<hbm>>
    %dma_wait3A_33 = tpu.memref_squeeze %dma_wait3A_32 : memref<1x32768xf32, #tpu.memory_space<hbm>> -> memref<32768xf32, #tpu.memory_space<hbm>>
    tpu.wait_dma2 semaphore(%arg10 : memref<!tpu.dma_semaphore, #tpu.memory_space<semaphore_mem>>) src(%arg4 : memref<32768xf32, #tpu.memory_space<vmem>>) dst(%dma_wait3A_33 : memref<32768xf32, #tpu.memory_space<hbm>>)
    %dma_wait3A_34 = arith.constant 0 : i32
    %dma_wait3A_35 = tpu.memref_slice %arg3[%sub3A_26, %dma_wait3A_34] : memref<1024x32768xf32, #tpu.memory_space<hbm>> -> memref<1x32768xf32, #tpu.memory_space<hbm>>
    %dma_wait3A_36 = tpu.memref_squeeze %dma_wait3A_35 : memref<1x32768xf32, #tpu.memory_space<hbm>> -> memref<32768xf32, #tpu.memory_space<hbm>>
    %dma_wait3A_37 = arith.constant 0 : i32
    %dma_wait3A_38 = tpu.memref_slice %arg3[%sub3A_26, %dma_wait3A_37] : memref<1024x32768xf32, #tpu.memory_space<hbm>> -> memref<1x32768xf32, #tpu.memory_space<hbm>>
    %dma_wait3A_39 = tpu.memref_squeeze %dma_wait3A_38 : memref<1x32768xf32, #tpu.memory_space<hbm>> -> memref<32768xf32, #tpu.memory_space<hbm>>
    tpu.wait_dma2 semaphore(%arg11 : memref<!tpu.dma_semaphore, #tpu.memory_space<semaphore_mem>>) src(%arg5 : memref<32768xf32, #tpu.memory_space<vmem>>) dst(%dma_wait3A_39 : memref<32768xf32, #tpu.memory_space<hbm>>)
    return
  }
}

</mosaic_0001>

<sc_bundles>
// kernel: kernel.3.cloned.1.call-start
scs
__scs_entry_jumppad:
0x0: {  	(pc) =	sbr.rel $0x88, $3  }
0x1: {  	(tag) =	ssettag $0x0;
	lr =	simm.s32 $0x1  }
0x2: {  	[smem:$0x3FA0] =	sst lr;
	_ =	strace $0xD0000000  }
0x3: {  	_ = 	snop  }
0x4: {  	_ = 	snop  }
0x5: {  	_ = 	snop  }
0x6: {  	_ = 	snop  }
0x7: {  	_ = 	snop  }
__scs_overlays_trampoline_lowered:
0x8: {  	[smem:$0x3FAF] =	sst s0  }
0x9: {  	[smem:$0x3FB0] =	sst s1  }
0xa: {  	[smem:$0x3FB1] =	sst s2  }
0xb: {  	[smem:$0x3FB2] =	sst s3  }
0xc: {  	[smem:$0x3FB3] =	sst s4  }
0xd: {  	[smem:$0x3FB4] =	sst s5  }
0xe: {  	[smem:$0x3FB5] =	sst s6  }
0xf: {  	[smem:$0x3FB6] =	sst s7  }
0x10: {  	[smem:$0x3FB7] =	sst s8  }
0x11: {  	[smem:$0x3FB8] =	sst s9;
	s0 =	simm.s32 @!p0 $0x0  }
0x12: {  	s1 =	sld [smem:$0x3F9E];
	s0 =	simm.s32 @p0 $0x1  }
0x13: {  	[smem:$0x3FB9] =	sst s0;
	s0 =	simm.s32 @!p1 $0x0  }
0x14: {  	s2 =	sld [smem:$0x3F9D];
	s0 =	simm.s32 @p1 $0x1  }
0x15: {  	[smem:$0x3FBA] =	sst s0;
	s0 =	simm.s32 @!p2 $0x0  }
0x16: {  	s3 =	sld [smem:$0x3FDB];
	s0 =	simm.s32 @p2 $0x1  }
0x17: {  	s4 =	simm.s32 $0x1BF5;
	[smem:$0x3FBC] =	sst s0  }
0x18: {  	s0 =	sld [smem:$0x3F9F];
	_ =	swait.ge [sflag:s4], $0x0  }
0x19: {  	s7 =	sld [smem:$0x3FA0]  }
0x1a: {  	s8 =	sadd.s32 $0xFFFFE003, lr  }
0x1b: {  	s9 =	sadd.s32 $0xFFFFFEF7, lr;
	s5 =	simm.s32 $0xFFFFFFFF;
	p2 =	slt.u32 s8, $0xFFFFF086  }
0x1c: {  	p1 =	slt.u32 s9, $0xF7A;
	s5 =	simm.s32 @!p2 $0x0  }
0x1d: {  	s5 =	simm.s32 @p1 $0x1;
	p0 =	seq.s32 s7, s2  }
0x1e: {  	s7 =	smul.u32 @!p0 $0xF7A, s2;
	p2 =	seq.s32 @!p0 s5, $0x0  }
0x1f: {  	s9 =	smul.u32 $0xF7A, s1;
	s8 =	simm.s32 @!p0 $0x1BF5;
	p2 =	por !p2, p0  }
0x20: {  	[sflag:s8] =	ssyncset.s32 @!p0 $0xFFFFF086;
	s6 =	sadd.s32 @!p0 s3, s7;
	s7 =	simm.s32 @!p0 $0x108  }
0x21: {  	s3 =	sadd.s32 s3, s9;
	s6 =	sadd.s32 @!p0 $0x88, s6;
	s7 =	simm.s32 @p2 $0x1082  }
0x22: {  	[simem:s7], [sflag:s8] =	dma.local @!p0 [hbm:s6], $0xF7A  }
0x23: {  	s9 =	sor.u32 $0xD0000000, s2;
	s6 =	simm.s32 $0x108;
	_ =	swait.ge @!p0 [sflag:s8], $0x0  }
0x24: {  	s3 =	sadd.s32 $0x88, s3;
	s6 =	simm.s32 @!p1 $0x1082;
	[sflag:s4] =	ssyncset.s32 $0xFFFFF086  }
0x25: {  	[simem:s6], [sflag:s4] =	dma.local [hbm:s3], $0xF7A  }
0x26: {  	[smem:$0x3FA0] =	sst s1;
	(tag) =	ssettag s2;
	_ =	strace s9  }
0x27: {  	s1 =	sld [smem:$0x3FB0]  }
0x28: {  	s2 =	sld [smem:$0x3FB1]  }
0x29: {  	s4 =	sld [smem:$0x3FB3]  }
0x2a: {  	p0 =	seq.s32 s5, $0x0;
	s5 =	sld [smem:$0x3FB4]  }
0x2b: {  	s6 =	sld [smem:$0x3FB5]  }
0x2c: {  	s7 =	sld [smem:$0x3FB6]  }
0x2d: {  	s3 =	simm.s32 $0x108;
	s8 =	sld [smem:$0x3FB7]  }
0x2e: {  	s3 =	simm.s32 @!p0 $0x1082;
	s9 =	sld [smem:$0x3FB8]  }
0x2f: {  	lr =	sadd.s32 s0, s3;
	s0 =	sld [smem:$0x3FAF]  }
0x30: {  	s3 =	sld [smem:$0x3FB2]  }
0x31: {  	[smem:$0x3FBB] =	sst s10  }
0x32: {  	s10 =	sld [smem:$0x3FB9];
	_ =	sdelay $0x3  }
0x33: {  	p0 =	seq.s32 s10, $0x1;
	s10 =	sld [smem:$0x3FBB];
	_ =	sdelay $0x3  }
0x34: {  	[smem:$0x3FBB] =	sst s10  }
0x35: {  	s10 =	sld [smem:$0x3FBA];
	_ =	sdelay $0x3  }
0x36: {  	p1 =	seq.s32 s10, $0x1;
	s10 =	sld [smem:$0x3FBB];
	_ =	sdelay $0x3  }
0x37: {  	[smem:$0x3FBB] =	sst s10  }
0x38: {  	s10 =	sld [smem:$0x3FBC]  }
0x39: {  	_ = 	snop;
	(pc) =	sbr.ind lr, $3  }
0x3a: {  	_ = 	snop  }
0x3b: {  	_ = 	snop  }
0x3c: {  	p2 =	seq.s32 s10, $0x1;
	s10 =	sld [smem:$0x3FBB]  }
0x3d: {  	_ =	shalt  }
0x3e: {  	_ =	shalt  }
0x3f: {  	_ =	shalt  }
0x40: {  	_ =	shalt  }
0x41: {  	_ =	shalt  }
0x42: {  	_ =	shalt  }
0x43: {  	_ =	shalt  }
0x44: {  	_ =	shalt  }
0x45: {  	_ =	shalt  }
0x46: {  	_ =	shalt  }
0x47: {  	_ =	shalt  }
0x48: {  	_ =	shalt  }
0x49: {  	_ =	shalt  }
0x4a: {  	_ =	shalt  }
0x4b: {  	_ =	shalt  }
0x4c: {  	_ =	shalt  }
0x4d: {  	_ =	shalt  }
0x4e: {  	_ =	shalt  }
0x4f: {  	_ =	shalt  }
0x50: {  	_ =	shalt  }
0x51: {  	_ =	shalt  }
0x52: {  	_ =	shalt  }
0x53: {  	_ =	shalt  }
0x54: {  	_ =	shalt  }
0x55: {  	_ =	shalt  }
0x56: {  	_ =	shalt  }
0x57: {  	_ =	shalt  }
0x58: {  	_ =	shalt  }
0x59: {  	_ =	shalt  }
0x5a: {  	_ =	shalt  }
0x5b: {  	_ =	shalt  }
0x5c: {  	_ =	shalt  }
0x5d: {  	_ =	shalt  }
0x5e: {  	_ =	shalt  }
0x5f: {  	_ =	shalt  }
0x60: {  	_ =	shalt  }
0x61: {  	_ =	shalt  }
0x62: {  	_ =	shalt  }
0x63: {  	_ =	shalt  }
0x64: {  	_ =	shalt  }
0x65: {  	_ =	shalt  }
0x66: {  	_ =	shalt  }
0x67: {  	_ =	shalt  }
0x68: {  	_ =	shalt  }
0x69: {  	_ =	shalt  }
0x6a: {  	_ =	shalt  }
0x6b: {  	_ =	shalt  }
0x6c: {  	_ =	shalt  }
0x6d: {  	_ =	shalt  }
0x6e: {  	_ =	shalt  }
0x6f: {  	_ =	shalt  }
0x70: {  	_ =	shalt  }
0x71: {  	_ =	shalt  }
0x72: {  	_ =	shalt  }
0x73: {  	_ =	shalt  }
0x74: {  	_ =	shalt  }
0x75: {  	_ =	shalt  }
0x76: {  	_ =	shalt  }
0x77: {  	_ =	shalt  }
0x78: {  	_ =	shalt  }
0x79: {  	_ =	shalt  }
0x7a: {  	_ =	shalt  }
0x7b: {  	_ =	shalt  }
0x7c: {  	_ =	shalt  }
0x7d: {  	_ =	shalt  }
0x7e: {  	_ =	shalt  }
0x7f: {  	_ =	shalt  }
0x80: {  	_ =	shalt  }
0x81: {  	_ =	shalt  }
0x82: {  	_ =	shalt  }
0x83: {  	_ =	shalt  }
0x84: {  	_ =	shalt  }
0x85: {  	_ =	shalt  }
0x86: {  	_ =	shalt  }
0x87: {  	_ =	shalt  }
.Lfunc_end0:
.L_simem_size_0:
called_computation_lowered:
.L_overlay_start_0:
0x88: {  	s2 =	sld [smem:$0x3FD9]  }
0x89: {  	s3 =	sld [smem:$0x3FFE];
	_ =	sdelay $0x1  }
0x8a: {  	s1 =	srdreg.scid  }
0x8b: {  	s0 =	sand.u32 $0x1, s1  }
0x8c: {  	s18 =	sshll.u32 s0, $0xA;
	s2 =	sadd.s32 s3, s2  }
0x8d: {  	s2 =	sadd.s32 s2, s18  }
0x8e: {  	[smem:$0x3FC7] =	sst s2  }
0x8f: {  	_ = 	snop  }
0x90: {  	s2 =	sld [smem:$0x3FC9]  }
0x91: {  	s19 =	sld [smem:$0x3FD0];
	(tm) =	ssettm $0x1  }
0x92: {  	s4 =	sld [smem:$0x3FFB];
	_ =	sdelay $0x3  }
0x93: {  	_ =	strace s4  }
0x94: {  	s4 =	sld [smem:$0x3FFC];
	_ =	sdelay $0x3  }
0x95: {  	_ =	strace s4  }
0x96: {  	s4 =	sld [smem:$0x3FFD];
	_ =	sdelay $0x3  }
0x97: {  	_ =	strace s4  }
0x98: {  	_ =	strace $0x8FFFFFFF  }
0x99: {  	s20 =	sld [smem:$0x3FDB];
	_ =	sdelay $0x1  }
0x9a: {  	s5 =	simm.s32 $_scs_section_size  }
0x9b: {  	s6 =	simm.s32 $_size__tile_overlayer_lowered;
	s7 =	simm.s32 $_tile_overlayer_lowered  }
0x9c: {  	s23 =	simm.s32 $0x1BFF;
	s22 =	sshll.u32 s7, $0x1;
	s4 =	sadd.s32 s5, s20  }
0x9d: {  	s8 =	simm.s32 $0x0;
	s21 =	sshll.u32 s6, $0x1;
	s6 =	sadd.s32 s22, s4  }
0x9e: {  	[timem:s8], [sflag:s23] =	dma.local [hbm:s6], s21  }
0x9f: {  	_ =	swait.ge [sflag:s23], s21  }
0xa0: {  	s5 =	ssub.s32 $0x0, s21;
	[sflag:s23] =	ssyncset.done $0x0  }
0xa1: {  	[sflag:s23] =	ssyncadd.s32 s5;
	_ =	sdelay $0x1  }
0xa2: {  	s24 =	simm.s32 $0x1B8B  }
0xa3: {  	_ =	swait.ge [sflag:s24], $0x1  }
0xa4: {  	[sflag:s24] =	ssyncset.done $0x0  }
0xa5: {  	s25 =	simm.s32 $0x1B8E;
	[sflag:s24] =	ssyncadd.s32 $0xFFFFFFFF  }
0xa6: {  	s26 =	simm.s32 $execute0_lowered;
	[smem:$0x3FD2] =	sst s25  }
0xa7: {  	s5 =	sshll.u32 s26, $0x1;
	_ =	strace $0x80000046;
	[dreg:$0x1] =	wrdreg $0xFFFFFFFF  }
0xa8: {  	s28 =	simm.s32 $_size_execute0_lowered;
	s4 =	sadd.s32 s4, s5;
	[dreg:$0x0] =	wrdreg $0x0  }
0xa9: {  	s5 =	sshll.u32 s28, $0x1;
	[dreg:$0x2] =	wrdreg s4  }
0xaa: {  	[dreg:$0x3] =	wrdreg s5  }
0xab: {  	[dreg:$0x4] =	wrdreg $0xC0  }
0xac: {  	_ =	task [dreg:s8], $0x5FFFF  }
0xad: {  	[dreg:$0x1] =	wrdreg $0xFFFFFFFF  }
0xae: {  	[dreg:$0x0] =	wrdreg $0x60  }
0xaf: {  	[dreg:$0x2] =	wrdreg s2  }
0xb0: {  	[dreg:$0x3] =	wrdreg s19  }
0xb1: {  	[dreg:$0x4] =	wrdreg $0x9  }
0xb2: {  	_ =	task.clear_ibuf [dreg:s8], $0x5FFFF;
	_ =	strace $0x90000046  }
0xb3: {  	s29 =	simm.s32 $0x9;
	_ =	strace $0x80000048  }
0xb4: {  	_ =	swait.ge [sflag:s29], $0x1  }
0xb5: {  	[sflag:s29] =	ssyncadd.s32 $0xFFFFFFFF  }
0xb6: {  	_ =	strace $0x90000048  }
0xb7: {  	_ =	sfence  }
0xb8: {  	s30 =	sld [smem:$0x0];
	_ =	sdelay $0x2  }
0xb9: {  	s31 =	sshll.u32 s1, $0xD;
	s1 =	sshrl.u32 s1, $0x2  }
0xba: {  	s3 =	sand.u32 $0x4000, s31;
	s1 =	sadd.s32 s1, s30  }
0xbb: {  	s0 =	sor.u32 s3, s0;
	s1 =	sshll.u32 s1, $0x11  }
0xbc: {  	s0 =	sor.u32 s1, s0  }
0xbd: {  	s0 =	sadd.s32 $0x8F2B, s0  }
0xbe: {  	[sflag:s0] =	ssyncadd.remote.s32 $0x1  }
0xbf: {  	_ =	sfence.sel $0xFFFF  }
0xc0: {  	[dreg:$0x0] =	wrdreg $0xFFFFFFFF;
	(pc) =	sbr.abs _section_cstart, $3  }
0xc1: {  	[dreg:$0x1] =	wrdreg $0xFFFFFFFF  }
0xc2: {  	_ =	task.clear_ibuf [dreg:s8], $0x2FFFF;
	_ =	strace $0x9FFFFFFF  }
0xc3: {  	(tm) =	ssettm $0x7FFFFFFF  }
tec
execute0_lowered:
.L_overlay_start_1:
0x0: {  	(tag) =	ssettag $0x1  }
0x1: {  	s1 =	rddreg [dreg:$0x0];
	v0 =	vlaneseq.u32  }
0x2: {  	s3 =	rddreg [dreg:$0x1];
	s4 =	srdreg.scid;
	v1 =	vand.u32 $0x7, v0  }
0x3: {  	s0 =	rddreg [dreg:$0x2];
	s2 =	stileid.u32;
	s9 =	simm.s32 $0x400;
	v0 =	vshrl.u32 v0, $0x3;
	v2 =	vmul.u32 $0x10, v1  }
0x4: {  	s10 =	simm.s32 $0x1;
	s11 =	simm.s32 $0x10000;
	s12 =	simm.s32 $0x8000;
	v0 =	vmul.u32 $0x80, v0  }
0x5: {  	v3 =	vimm.s32 $0x1;
	s13 =	simm.s32 $0x2;
	s14 =	simm.s32 $0x3;
	s15 =	simm.s32 $0x4;
	v1 =	vimm.s32 $0x0;
	v2 =	vor.u32 $0x8, v2  }
0x6: {  	s16 =	simm.s32 $0x0;
	s4 =	sand.u32 $0x1, s4;
	s5 =	sshll.u32 s2, $0x6;
	v4 =	vor.u32 $0x100, v0;
	v5 =	vor.u32 $0x200, v0;
	v6 =	vor.u32 $0x300, v0  }
0x7: {  	s6 =	ssub.s32 $0x2, s4;
	s7 =	sshll.u32 s4, $0x5;
	s4 =	simm.s32 $0x0;
	v7 =	vor.u32 $0x400, v0;
	v8 =	vor.u32 $0x500, v0;
	v9 =	vor.u32 $0x600, v0  }
0x8: {  	s8 =	sshrl.u32 s6, $0x1;
	s5 =	sor.u32 s7, s5;
	[smem:$0x7FF] =	sst s4;
	v10 =	vor.u32 $0x700, v0;
	v11 =	vor.u32 $0x800, v0;
	v12 =	vor.u32 $0x900, v0  }
0x9: {  	s30 =	ssub.s32 s6, s8;
	s31 =	sshll.u32 s5, $0xC;
	_ =	strace $0x80000047;
	v13 =	vor.u32 $0xA00, v0;
	v14 =	vor.u32 $0xB00, v0;
	v15 =	vor.u32 $0xC00, v0  }
0xa: {  	s8 =	simm.s32 $0x80;
	v16 =	vor.u32 $0xD00, v0;
	v17 =	vor.u32 $0xE00, v0;
	v18 =	vor.u32 $0xF00, v0;
	s6 =	sadd.s32 s1, s31;
	s7 =	smax.u32 s30, $0x1  }
.LBB2_1:
0xb: {  	s17 =	simm.s32 $0x10020  }
0xc: {  	[tilespmem:s17+$0xFFFFFFE0] =	vst v1  }
0xd: {  	[tilespmem:s17+$0x10] =	vst v1  }
0xe: {  	s18 =	simm.s32 $0x0;
	[tilespmem:s17+$0x0] =	vst v1  }
.LBB2_2:
0xf: {  	s18 =	sadd.s32 $0x4, s18  }
0x10: {  	[tilespmem:s17+$0xFFFFFFF0] =	vst v1;
	s17 =	sadd.s32 $0x40, s17;
	p0 =	slt.u32 s18, $0xFC  }
.Ltmp0:
0x11: {  	[tilespmem:s17+$0xFFFFFFE0] =	vst v1;
	(pc) =	sbr.rel @p0 .LBB2_2-.Ltmp0, $3  }
0x12: {  	_ =	sdelay $0x1  }
0x13: {  	[tilespmem:s17+$0x10] =	vst v1  }
0x14: {  	[tilespmem:s17+$0x0] =	vst v1  }
0x15: {  	[tilespmem:s17+$0xFFFFFFF0] =	vst v1;
	s17 =	simm.s32 $0x0  }
0x16: {  	[tilespmem:s17], [sflag:$0x1] =	stream.strided.gather [hbm4b:s6+s8], $0x8000, s9, s8, $0x38;
	[tilespmem:$0x11000] =	vst v63  }
.LBB2_4:
0x17: {  	_ =	swait.ge [sflag:s10], $0x8000  }
0x18: {  	[sflag:s10] =	ssyncset.done $0x0  }
0x19: {  	s18 =	simm.s32 $0x80;
	[sflag:s10] =	ssyncadd.s32 $0xFFFF8000  }
0x1a: {  	v19 =	vld [tilespmem:s18+$0x70]  }
0x1b: {  	v20 =	vld [tilespmem:s18+$0xFFFFFF90]  }
0x1c: {  	v21 =	vld [tilespmem:s18+$0xFFFFFFA0]  }
0x1d: {  	v23 =	vld [tilespmem:s18+$0xFFFFFFC0]  }
0x1e: {  	v24 =	vld [tilespmem:s18+$0xFFFFFFD0]  }
0x1f: {  	v27 =	vld [tilespmem:s18+$0xFFFFFFE0]  }
0x20: {  	v29 =	vld [tilespmem:s18+$0xFFFFFFF0]  }
0x21: {  	v30 =	vld [tilespmem:s18+$0x0]  }
0x22: {  	v32 =	vld [tilespmem:s18+$0x10]  }
0x23: {  	v34 =	vld [tilespmem:s18+$0x20]  }
0x24: {  	v35 =	vld [tilespmem:s18+$0x30]  }
0x25: {  	v36 =	vld [tilespmem:s18+$0x40]  }
0x26: {  	v37 =	vld [tilespmem:s18+$0x50]  }
0x27: {  	v38 =	vld [tilespmem:s18+$0x60]  }
0x28: {  	v39 =	vld [tilespmem:s18+$0xFFFFFF80]  }
0x29: {  	v25 =	vshra.s32 v19, $0x1F;
	v26 =	vshra.s32 v20, $0x1F;
	v28 =	vshra.s32 v21, $0x1F  }
0x2a: {  	v31 =	vshra.s32 v23, $0x1F;
	v33 =	vshra.s32 v24, $0x1F;
	v48 =	vshra.s32 v27, $0x1F  }
0x2b: {  	v22 =	vld [tilespmem:s18+$0xFFFFFFB0];
	v49 =	vshra.s32 v29, $0x1F;
	v50 =	vshra.s32 v30, $0x1F;
	v51 =	vshra.s32 v32, $0x1F  }
0x2c: {  	v52 =	vshra.s32 v34, $0x1F;
	v53 =	vshra.s32 v35, $0x1F;
	v54 =	vshra.s32 v36, $0x1F  }
0x2d: {  	v55 =	vshra.s32 v37, $0x1F;
	v57 =	vshra.s32 v38, $0x1F;
	v58 =	vshra.s32 v39, $0x1F  }
0x2e: {  	v25 =	vand.u32 $0x70000000, v25;
	v26 =	vand.u32 $0x70000000, v26;
	v31 =	vand.u32 $0x70000000, v31  }
0x2f: {  	v56 =	vand.u32 $0x70000000, v55;
	v19 =	vxor.u32 v19, v25;
	v25 =	vand.u32 $0x70000000, v28  }
0x30: {  	v28 =	vshra.s32 v22, $0x1F;
	v20 =	vxor.u32 v20, v26;
	v26 =	vand.u32 $0x70000000, v33  }
0x31: {  	v23 =	vxor.u32 v23, v31;
	v31 =	vand.u32 $0x70000000, v50;
	v33 =	vand.u32 $0x70000000, v57  }
0x32: {  	v19 =	vshrl.u32 v19, $0x1C;
	v28 =	vand.u32 $0x70000000, v28;
	v21 =	vxor.u32 v21, v25  }
0x33: {  	v25 =	vand.u32 $0x70000000, v48;
	v24 =	vxor.u32 v24, v26;
	v26 =	vand.u32 $0x70000000, v51  }
0x34: {  	v30 =	vxor.u32 v30, v31;
	v31 =	vand.u32 $0x70000000, v54;
	v33 =	vxor.u32 v38, v33  }
0x35: {  	v20 =	vshrl.u32 v20, $0x1C;
	v23 =	vshrl.u32 v23, $0x1C;
	v19 =	vxor.u32 v2, v19  }
0x36: {  	v22 =	vxor.u32 v22, v28;
	v28 =	vand.u32 $0x70000000, v49;
	v25 =	vxor.u32 v27, v25  }
0x37: {  	v27 =	vand.u32 $0x70000000, v52;
	v26 =	vxor.u32 v32, v26;
	v31 =	vxor.u32 v36, v31  }
0x38: {  	v32 =	vxor.u32 v37, v56;
	v21 =	vshrl.u32 v21, $0x1C;
	v24 =	vshrl.u32 v24, $0x1C  }
0x39: {  	v60 =	vshrl.u32 v30, $0x1C;
	v41 =	vshrl.u32 v33, $0x1C;
	v33 =	vxor.u32 v2, v20  }
0x3a: {  	v30 =	vxor.u32 v2, v23;
	v19 =	vor.u32 v18, v19;
	v28 =	vxor.u32 v29, v28  }
0x3b: {  	v29 =	vand.u32 $0x70000000, v53;
	v27 =	vxor.u32 v34, v27;
	v34 =	vand.u32 $0x70000000, v58  }
0x3c: {  	v22 =	vshrl.u32 v22, $0x1C;
	v25 =	vshrl.u32 v25, $0x1C;
	v61 =	vshrl.u32 v26, $0x1C  }
0x3d: {  	v40 =	vshrl.u32 v32, $0x1C;
	v26 =	vxor.u32 v2, v60;
	v20 =	vxor.u32 v2, v41  }
0x3e: {  	v29 =	vxor.u32 v35, v29;
	v34 =	vxor.u32 v39, v34;
	v59 =	vshrl.u32 v28, $0x1C  }
0x3f: {  	v62 =	vshrl.u32 v27, $0x1C;
	v28 =	vxor.u32 v2, v25;
	v25 =	vxor.u32 v2, v61  }
0x40: {  	v34 =	vshrl.u32 v34, $0x1C;
	v63 =	vshrl.u32 v29, $0x1C;
	v29 =	vxor.u32 v2, v22  }
0x41: {  	v27 =	vxor.u32 v2, v59;
	v32 =	vxor.u32 v2, v34;
	v34 =	vxor.u32 v2, v21  }
0x42: {  	v23 =	vxor.u32 v2, v63;
	v21 =	vxor.u32 v2, v40;
	[tilespmem:v19+s11+$0x0] =	vst.idx.msk $0xffff, v3;
	v19 =	vshrl.u32 v31, $0x1C  }
0x43: {  	s19 =	simm.s32 $0x180;
	s18 =	simm.s32 $0x0;
	v31 =	vxor.u32 v2, v24;
	v24 =	vxor.u32 v2, v62;
	v22 =	vxor.u32 v2, v19  }
.LBB2_5:
0x44: {  	v35 =	vld [tilespmem:s19+$0x70];
	s18 =	sadd.s32 $0x10, s18;
	v19 =	vor.u32 v0, v32;
	v32 =	vor.u32 v4, v33;
	v33 =	vor.u32 v5, v34  }
0x45: {  	v29 =	vor.u32 v6, v29;
	v30 =	vor.u32 v7, v30;
	v31 =	vor.u32 v8, v31;
	v34 =	vld [tilespmem:s19+$0xFFFFFF90];
	p0 =	slt.u32 s18, $0x7F0  }
0x46: {  	v28 =	vor.u32 v9, v28;
	v27 =	vor.u32 v10, v27;
	v26 =	vor.u32 v11, v26;
	v36 =	vld [tilespmem:s19+$0xFFFFFFA0]  }
0x47: {  	v25 =	vor.u32 v12, v25;
	v24 =	vor.u32 v13, v24;
	v23 =	vor.u32 v14, v23;
	v37 =	vld [tilespmem:s19+$0xFFFFFFB0]  }
0x48: {  	v22 =	vor.u32 v15, v22;
	v21 =	vor.u32 v16, v21;
	v20 =	vor.u32 v17, v20;
	v38 =	vld [tilespmem:s19+$0xFFFFFFC0]  }
0x49: {  	v39 =	vld [tilespmem:s19+$0xFFFFFFD0];
	v40 =	vshra.s32 v35, $0x1F;
	[tilespmem:v19+s11+$0x0] =	vst.idx.msk $0xffff, v3  }
0x4a: {  	v19 =	vimm.s32 $0x0;
	v41 =	vshra.s32 v34, $0x1F;
	v42 =	vld [tilespmem:s19+$0xFFFFFFE0];
	v40 =	vand.u32 $0x70000000, v40;
	[tilespmem:v32+s11+$0x0] =	vst.idx.msk $0xffff, v3  }
0x4b: {  	v32 =	vand.u32 $0x70000000, v41;
	v41 =	vshra.s32 v36, $0x1F;
	v43 =	vld [tilespmem:s19+$0xFFFFFFF0];
	v35 =	vxor.u32 v35, v40;
	[tilespmem:v33+s11+$0x0] =	vst.idx.msk $0xffff, v3  }
0x4c: {  	v33 =	vand.u32 $0x70000000, v41;
	v40 =	vshra.s32 v37, $0x1F;
	v41 =	vld [tilespmem:s19+$0x0];
	v35 =	vshrl.u32 v35, $0x1C;
	[tilespmem:v29+s11+$0x0] =	vst.idx.msk $0xffff, v3  }
0x4d: {  	v29 =	vand.u32 $0x70000000, v40;
	v40 =	vshra.s32 v38, $0x1F;
	v44 =	vld [tilespmem:s19+$0x10];
	v35 =	vxor.u32 v2, v35;
	[tilespmem:v30+s11+$0x0] =	vst.idx.msk $0xffff, v3  }
0x4e: {  	v30 =	vand.u32 $0x70000000, v40;
	v40 =	vshra.s32 v39, $0x1F;
	v45 =	vld [tilespmem:s19+$0x20];
	v35 =	vor.u32 v18, v35;
	[tilespmem:v31+s11+$0x0] =	vst.idx.msk $0xffff, v3  }
0x4f: {  	v31 =	vxor.u32 v34, v32;
	v32 =	vand.u32 $0x70000000, v40;
	v34 =	vshra.s32 v42, $0x1F;
	v40 =	vld [tilespmem:s19+$0x30];
	[tilespmem:v28+s11+$0x0] =	vst.idx.msk $0xffff, v3  }
0x50: {  	v28 =	vxor.u32 v36, v33;
	v33 =	vand.u32 $0x70000000, v34;
	v34 =	vshra.s32 v43, $0x1F;
	v36 =	vld [tilespmem:s19+$0x40];
	[tilespmem:v27+s11+$0x0] =	vst.idx.msk $0xffff, v3  }
0x51: {  	v27 =	vxor.u32 v37, v29;
	v29 =	vand.u32 $0x70000000, v34;
	v34 =	vshra.s32 v41, $0x1F;
	v37 =	vld [tilespmem:s19+$0x50];
	[tilespmem:v26+s11+$0x0] =	vst.idx.msk $0xffff, v3  }
0x52: {  	v26 =	vxor.u32 v38, v30;
	v30 =	vand.u32 $0x70000000, v34;
	v34 =	vshra.s32 v44, $0x1F;
	v38 =	vld [tilespmem:s19+$0x60];
	[tilespmem:v25+s11+$0x0] =	vst.idx.msk $0xffff, v3  }
0x53: {  	v32 =	vxor.u32 v39, v32;
	v25 =	vld [tilespmem:s19+$0xFFFFFF80];
	v34 =	vand.u32 $0x70000000, v34;
	v39 =	vshra.s32 v45, $0x1F;
	[tilespmem:v35+s11+$0x0] =	vst.idx.msk $0xffff, v3  }
0x54: {  	v33 =	vxor.u32 v42, v33;
	v35 =	vand.u32 $0x70000000, v39;
	v39 =	vshra.s32 v40, $0x1F;
	[tilespmem:v24+s11+$0x0] =	vst.idx.msk $0xffff, v3  }
0x55: {  	v24 =	vxor.u32 v43, v29;
	v29 =	vand.u32 $0x70000000, v39;
	v39 =	vshra.s32 v36, $0x1F;
	[tilespmem:v23+s11+$0x0] =	vst.idx.msk $0xffff, v3  }
0x56: {  	v23 =	vxor.u32 v41, v30;
	v30 =	vand.u32 $0x70000000, v39;
	v39 =	vshra.s32 v37, $0x1F;
	[tilespmem:v22+s11+$0x0] =	vst.idx.msk $0xffff, v3  }
0x57: {  	v22 =	vxor.u32 v44, v34;
	v34 =	vand.u32 $0x70000000, v39;
	v39 =	vshra.s32 v38, $0x1F;
	[tilespmem:v21+s11+$0x0] =	vst.idx.msk $0xffff, v3  }
0x58: {  	v35 =	vxor.u32 v45, v35;
	v21 =	vshra.s32 v25, $0x1F;
	v39 =	vand.u32 $0x70000000, v39;
	[tilespmem:v20+s11+$0x0] =	vst.idx.msk $0xffff, v3  }
0x59: {  	v20 =	vand.u32 $0x70000000, v21;
	v21 =	vxor.u32 v40, v29;
	v29 =	vxor.u32 v36, v30  }
0x5a: {  	v30 =	vxor.u32 v38, v39;
	v20 =	vxor.u32 v25, v20;
	v25 =	vxor.u32 v37, v34  }
0x5b: {  	v31 =	vshrl.u32 v31, $0x1C;
	v28 =	vshrl.u32 v28, $0x1C;
	v20 =	vshrl.u32 v20, $0x1C  }
0x5c: {  	v27 =	vshrl.u32 v27, $0x1C;
	v26 =	vshrl.u32 v26, $0x1C;
	v36 =	vshrl.u32 v32, $0x1C  }
0x5d: {  	v24 =	vshrl.u32 v24, $0x1C;
	v23 =	vshrl.u32 v23, $0x1C;
	v37 =	vshrl.u32 v33, $0x1C  }
0x5e: {  	v35 =	vshrl.u32 v35, $0x1C;
	v22 =	vshrl.u32 v22, $0x1C;
	v21 =	vshrl.u32 v21, $0x1C  }
0x5f: {  	v38 =	vshrl.u32 v29, $0x1C;
	v40 =	vshrl.u32 v30, $0x1C;
	v39 =	vshrl.u32 v25, $0x1C  }
.Ltmp1:
0x60: {  	v33 =	vxor.u32 v2, v31;
	v34 =	vxor.u32 v2, v28;
	v32 =	vxor.u32 v2, v20;
	(pc) =	sbr.rel @p0 .LBB2_5-.Ltmp1, $4  }
0x61: {  	v29 =	vxor.u32 v2, v27;
	v30 =	vxor.u32 v2, v26;
	v31 =	vxor.u32 v2, v36  }
0x62: {  	v27 =	vxor.u32 v2, v24;
	v26 =	vxor.u32 v2, v23;
	v28 =	vxor.u32 v2, v37  }
0x63: {  	v24 =	vxor.u32 v2, v35;
	v25 =	vxor.u32 v2, v22;
	v23 =	vxor.u32 v2, v21  }
0x64: {  	s19 =	sadd.s32 $0x100, s19;
	v22 =	vxor.u32 v2, v38;
	v21 =	vxor.u32 v2, v39;
	v20 =	vxor.u32 v2, v40  }
0x65: {  	v32 =	vor.u32 v0, v32  }
0x66: {  	v33 =	vor.u32 v4, v33  }
0x67: {  	v34 =	vor.u32 v5, v34  }
0x68: {  	v29 =	vor.u32 v6, v29  }
0x69: {  	v30 =	vor.u32 v7, v30  }
0x6a: {  	v31 =	vor.u32 v8, v31;
	[tilespmem:v32+s11+$0x0] =	vst.idx.msk $0xffff, v3  }
0x6b: {  	v28 =	vor.u32 v9, v28;
	[tilespmem:v33+s11+$0x0] =	vst.idx.msk $0xffff, v3  }
0x6c: {  	v27 =	vor.u32 v10, v27;
	[tilespmem:v34+s11+$0x0] =	vst.idx.msk $0xffff, v3  }
0x6d: {  	v26 =	vor.u32 v11, v26;
	[tilespmem:v29+s11+$0x0] =	vst.idx.msk $0xffff, v3  }
0x6e: {  	v25 =	vor.u32 v12, v25;
	[tilespmem:v30+s11+$0x0] =	vst.idx.msk $0xffff, v3  }
0x6f: {  	v24 =	vor.u32 v13, v24;
	[tilespmem:v31+s11+$0x0] =	vst.idx.msk $0xffff, v3  }
0x70: {  	v23 =	vor.u32 v14, v23;
	[tilespmem:v28+s11+$0x0] =	vst.idx.msk $0xffff, v3  }
0x71: {  	v22 =	vor.u32 v15, v22;
	[tilespmem:v27+s11+$0x0] =	vst.idx.msk $0xffff, v3  }
0x72: {  	v21 =	vor.u32 v16, v21;
	[tilespmem:v26+s11+$0x0] =	vst.idx.msk $0xffff, v3  }
0x73: {  	v20 =	vor.u32 v17, v20;
	[tilespmem:v25+s11+$0x0] =	vst.idx.msk $0xffff, v3  }
0x74: {  	[tilespmem:v24+s11+$0x0] =	vst.idx.msk $0xffff, v3  }
0x75: {  	[tilespmem:v23+s11+$0x0] =	vst.idx.msk $0xffff, v3  }
0x76: {  	[tilespmem:v22+s11+$0x0] =	vst.idx.msk $0xffff, v3  }
0x77: {  	[tilespmem:v21+s11+$0x0] =	vst.idx.msk $0xffff, v3  }
0x78: {  	s20 =	simm.s32 $0x0;
	[tilespmem:v20+s11+$0x0] =	vst.idx.msk $0xffff, v3  }
0x79: {  	v20 =	vld [tilespmem:s20+$0x10000];
	[tilespmem:s20+$0x10000] =	vst v1  }
0x7a: {  	v21 =	vld [tilespmem:s20+$0x10010];
	[tilespmem:s20+$0x10010] =	vst v1  }
0x7b: {  	v22 =	vld [tilespmem:s20+$0x10020];
	[tilespmem:s20+$0x10020] =	vst v1  }
0x7c: {  	v23 =	vld [tilespmem:s20+$0x10030];
	[tilespmem:s20+$0x10030] =	vst v1  }
0x7d: {  	v24 =	vld [tilespmem:s20+$0x10040];
	[tilespmem:s20+$0x10040] =	vst v1  }
0x7e: {  	v25 =	vld [tilespmem:s20+$0x10050];
	[tilespmem:s20+$0x10050] =	vst v1;
	v19 =	vadd.s32 v19, v20  }
0x7f: {  	v20 =	vld [tilespmem:s20+$0x10060];
	[tilespmem:s20+$0x10060] =	vst v1;
	v19 =	vadd.s32 v21, v19  }
0x80: {  	v21 =	vld [tilespmem:s20+$0x10070];
	[tilespmem:s20+$0x10070] =	vst v1;
	v19 =	vadd.s32 v22, v19  }
0x81: {  	v22 =	vld [tilespmem:s20+$0x10080];
	[tilespmem:s20+$0x10080] =	vst v1;
	v19 =	vadd.s32 v23, v19  }
0x82: {  	v23 =	vld [tilespmem:s20+$0x10090];
	[tilespmem:s20+$0x10090] =	vst v1;
	v19 =	vadd.s32 v24, v19  }
0x83: {  	v24 =	vld [tilespmem:s20+$0x100A0];
	[tilespmem:s20+$0x100A0] =	vst v1;
	v25 =	vadd.s32 v25, v19  }
0x84: {  	v19 =	vld [tilespmem:s20+$0x100B0];
	[tilespmem:s20+$0x100B0] =	vst v1;
	v25 =	vadd.s32 v20, v25  }
0x85: {  	v20 =	vld [tilespmem:s20+$0x100C0];
	[tilespmem:s20+$0x100C0] =	vst v1;
	v25 =	vadd.s32 v21, v25  }
0x86: {  	v21 =	vld [tilespmem:s20+$0x100D0];
	[tilespmem:s20+$0x100D0] =	vst v1;
	v25 =	vadd.s32 v22, v25  }
0x87: {  	v22 =	vld [tilespmem:s20+$0x100E0];
	[tilespmem:s20+$0x100E0] =	vst v1;
	v25 =	vadd.s32 v23, v25  }
0x88: {  	s18 =	simm.s32 $0x100;
	s19 =	simm.s32 $0x800;
	v23 =	vld [tilespmem:s20+$0x100F0];
	[tilespmem:s20+$0x100F0] =	vst v1;
	v24 =	vadd.s32 v24, v25  }
.LBB2_7:
0x89: {  	p0 =	sne.s32 s19, $0x3C00;
	v25 =	vld [tilespmem:s18+$0x10000];
	[tilespmem:s18+$0x10000] =	vst v1;
	v19 =	vadd.s32 v19, v24  }
0x8a: {  	v24 =	vld [tilespmem:s18+$0x10010];
	[tilespmem:s18+$0x10010] =	vst v1;
	v19 =	vadd.s32 v20, v19  }
0x8b: {  	v20 =	vld [tilespmem:s18+$0x10020];
	[tilespmem:s18+$0x10020] =	vst v1;
	v19 =	vadd.s32 v21, v19  }
0x8c: {  	v21 =	vld [tilespmem:s18+$0x10030];
	[tilespmem:s18+$0x10030] =	vst v1;
	v19 =	vadd.s32 v22, v19  }
0x8d: {  	v22 =	vld [tilespmem:s18+$0x10040];
	[tilespmem:s18+$0x10040] =	vst v1;
	v19 =	vadd.s32 v23, v19  }
0x8e: {  	v19 =	vadd.s32 v19, v25;
	v23 =	vld [tilespmem:s18+$0x10050];
	[tilespmem:s18+$0x10050] =	vst v1  }
0x8f: {  	v19 =	vadd.s32 v24, v19;
	v24 =	vld [tilespmem:s18+$0x10060];
	[tilespmem:s18+$0x10060] =	vst v1  }
0x90: {  	v19 =	vadd.s32 v20, v19;
	v20 =	vld [tilespmem:s18+$0x10070];
	[tilespmem:s18+$0x10070] =	vst v1  }
0x91: {  	v19 =	vadd.s32 v21, v19;
	v21 =	vld [tilespmem:s18+$0x10080];
	[tilespmem:s18+$0x10080] =	vst v1  }
0x92: {  	v19 =	vadd.s32 v22, v19;
	v22 =	vld [tilespmem:s18+$0x10090];
	[tilespmem:s18+$0x10090] =	vst v1  }
0x93: {  	v19 =	vadd.s32 v23, v19;
	v23 =	vld [tilespmem:s18+$0x100A0];
	[tilespmem:s18+$0x100A0] =	vst v1  }
.Ltmp2:
0x94: {  	v24 =	vadd.s32 v24, v19;
	v19 =	vld [tilespmem:s18+$0x100B0];
	[tilespmem:s18+$0x100B0] =	vst v1;
	(pc) =	sbr.rel @p0 .LBB2_7-.Ltmp2, $4  }
0x95: {  	v24 =	vadd.s32 v20, v24;
	v20 =	vld [tilespmem:s18+$0x100C0];
	[tilespmem:s18+$0x100C0] =	vst v1  }
0x96: {  	v24 =	vadd.s32 v21, v24;
	v21 =	vld [tilespmem:s18+$0x100D0];
	[tilespmem:s18+$0x100D0] =	vst v1  }
0x97: {  	v24 =	vadd.s32 v22, v24;
	v22 =	vld [tilespmem:s18+$0x100E0];
	[tilespmem:s18+$0x100E0] =	vst v1  }
0x98: {  	v24 =	vadd.s32 v23, v24;
	v23 =	vld [tilespmem:s18+$0x100F0];
	[tilespmem:s18+$0x100F0] =	vst v1;
	s18 =	sshra.s32 s19, $0x2;
	s19 =	sadd.s32 $0x400, s19  }
0x99: {  	[tilespmem:s18+$0x10000] =	vst v1  }
0x9a: {  	[tilespmem:s18+$0x10010] =	vst v1  }
0x9b: {  	[tilespmem:s18+$0x10020] =	vst v1  }
0x9c: {  	[tilespmem:s18+$0x10030] =	vst v1  }
0x9d: {  	[tilespmem:s18+$0x10040] =	vst v1  }
0x9e: {  	[tilespmem:s18+$0x10050] =	vst v1  }
0x9f: {  	[tilespmem:s18+$0x10060] =	vst v1  }
0xa0: {  	[tilespmem:s18+$0x10070] =	vst v1  }
0xa1: {  	[tilespmem:s18+$0x10080] =	vst v1  }
0xa2: {  	[tilespmem:s18+$0x10090] =	vst v1  }
0xa3: {  	[tilespmem:s18+$0x100A0] =	vst v1  }
0xa4: {  	[tilespmem:s18+$0x100B0] =	vst v1  }
0xa5: {  	[tilespmem:s18+$0x100C0] =	vst v1;
	s19 =	sshll.u32 s17, $0x1  }
0xa6: {  	[tilespmem:s18+$0x100D0] =	vst v1;
	s19 =	sadd.s32 s5, s19  }
0xa7: {  	[tilespmem:s18+$0x100E0] =	vst v1;
	s21 =	sshll.u32 s17, $0x5;
	p0 =	seq.s32 s17, $0x0;
	s20 =	sshll.u32 s19, $0xC  }
0xa8: {  	[tilespmem:s18+$0x100F0] =	vst v1;
	s21 =	sand.u32 $0x60, s21;
	s22 =	simm.s32 @!p0 $0x4;
	s20 =	sand.u32 $0x3F8000, s20  }
0xa9: {  	_ =	swait.ge @!p0 [sflag:s22], $0x8000;
	s31 =	sor.u32 s21, s20  }
0xaa: {  	[sflag:s22] =	ssyncset.done @!p0 $0x0;
	s18 =	sor.u32 $0x10, s31  }
0xab: {  	[sflag:s22] =	ssyncadd.s32 @!p0 $0xFFFF8000;
	s22 =	simm.s32 $0x80;
	s23 =	sadd.s32 s1, s18  }
0xac: {  	[tilespmem:s12], [sflag:$0x2] =	stream.strided.gather [hbm4b:s23+s22], $0x8000, s9, s22, $0x38;
	[tilespmem:$0x11000] =	vst v63  }
0xad: {  	v19 =	vld [tilespmem:s22+$0x70]  }
0xae: {  	v20 =	vld [tilespmem:s22+$0xFFFFFF90]  }
0xaf: {  	v21 =	vld [tilespmem:s22+$0xFFFFFFA0]  }
0xb0: {  	v22 =	vld [tilespmem:s22+$0xFFFFFFB0]  }
0xb1: {  	v23 =	vld [tilespmem:s22+$0xFFFFFFC0]  }
0xb2: {  	v24 =	vld [tilespmem:s22+$0xFFFFFFD0];
	vm0 =	vgt.s32 v19, $0xFFFFFFFF  }
0xb3: {  	v25 =	vld [tilespmem:s22+$0xFFFFFFE0];
	vm1 =	vgt.s32 v20, $0xFFFFFFFF;
	v19 =	vnsel vm0, $0x0, v19  }
0xb4: {  	v26 =	vld [tilespmem:s22+$0xFFFFFFF0];
	v20 =	vnsel vm1, $0x0, v20;
	vm0 =	vgt.s32 v21, $0xFFFFFFFF;
	[tilespmem:s22+$0x70] =	vst v19  }
0xb5: {  	[tilespmem:s22+$0xFFFFFF90] =	vst v20;
	v19 =	vnsel vm0, $0x0, v21;
	vm0 =	vgt.s32 v22, $0xFFFFFFFF;
	v21 =	vld [tilespmem:s22+$0x0]  }
0xb6: {  	v27 =	vld [tilespmem:s22+$0x10];
	[tilespmem:s22+$0xFFFFFFA0] =	vst v19;
	v19 =	vnsel vm0, $0x0, v22;
	vm0 =	vgt.s32 v23, $0xFFFFFFFF  }
0xb7: {  	[tilespmem:s22+$0xFFFFFFB0] =	vst v19;
	v20 =	vnsel vm0, $0x0, v23;
	vm0 =	vgt.s32 v24, $0xFFFFFFFF;
	v19 =	vld [tilespmem:s22+$0x20]  }
0xb8: {  	[tilespmem:s22+$0xFFFFFFC0] =	vst v20;
	v22 =	vnsel vm0, $0x0, v24;
	vm0 =	vgt.s32 v25, $0xFFFFFFFF;
	v20 =	vld [tilespmem:s22+$0x30]  }
0xb9: {  	[tilespmem:s22+$0xFFFFFFD0] =	vst v22;
	v23 =	vnsel vm0, $0x0, v25;
	vm0 =	vgt.s32 v26, $0xFFFFFFFF;
	v22 =	vld [tilespmem:s22+$0x40]  }
0xba: {  	v24 =	vld [tilespmem:s22+$0x50];
	[tilespmem:s22+$0xFFFFFFE0] =	vst v23;
	v23 =	vnsel vm0, $0x0, v26;
	vm0 =	vgt.s32 v21, $0xFFFFFFFF  }
0xbb: {  	[tilespmem:s22+$0xFFFFFFF0] =	vst v23;
	v25 =	vnsel vm0, $0x0, v21;
	vm0 =	vgt.s32 v27, $0xFFFFFFFF;
	v23 =	vld [tilespmem:s22+$0x60]  }
0xbc: {  	s24 =	simm.s32 $0x180;
	s23 =	simm.s32 $0x0;
	v21 =	vld [tilespmem:s22+$0xFFFFFF80];
	[tilespmem:s22+$0x0] =	vst v25;
	v25 =	vnsel vm0, $0x0, v27;
	vm0 =	vgt.s32 v19, $0xFFFFFFFF  }
.LBB2_9:
0xbd: {  	v26 =	vld [tilespmem:s24+$0x70];
	s23 =	sadd.s32 $0x10, s23;
	[tilespmem:s22+$0x10] =	vst v25;
	v19 =	vnsel vm0, $0x0, v19;
	vm0 =	vgt.s32 v20, $0xFFFFFFFF  }
0xbe: {  	v25 =	vld [tilespmem:s24+$0xFFFFFF90];
	p0 =	slt.u32 s23, $0x7F0;
	[tilespmem:s22+$0x20] =	vst v19;
	v19 =	vnsel vm0, $0x0, v20;
	vm0 =	vgt.s32 v22, $0xFFFFFFFF  }
0xbf: {  	v20 =	vld [tilespmem:s24+$0xFFFFFFA0];
	[tilespmem:s22+$0x30] =	vst v19;
	v19 =	vnsel vm0, $0x0, v22;
	vm0 =	vgt.s32 v24, $0xFFFFFFFF  }
0xc0: {  	v22 =	vld [tilespmem:s24+$0xFFFFFFB0];
	[tilespmem:s22+$0x40] =	vst v19;
	v19 =	vnsel vm0, $0x0, v24;
	vm0 =	vgt.s32 v23, $0xFFFFFFFF  }
0xc1: {  	v24 =	vld [tilespmem:s24+$0xFFFFFFC0];
	vm1 =	vgt.s32 v21, $0xFFFFFFFF;
	[tilespmem:s22+$0x50] =	vst v19;
	v19 =	vnsel vm0, $0x0, v23  }
0xc2: {  	v23 =	vld [tilespmem:s24+$0xFFFFFFD0];
	vm0 =	vgt.s32 v26, $0xFFFFFFFF;
	v21 =	vnsel vm1, $0x0, v21;
	[tilespmem:s22+$0x60] =	vst v19  }
0xc3: {  	vm1 =	vgt.s32 v25, $0xFFFFFFFF;
	v27 =	vld [tilespmem:s24+$0xFFFFFFE0];
	v19 =	vnsel vm0, $0x0, v26;
	[tilespmem:s22+$0xFFFFFF80] =	vst v21;
	s22 =	smov.u32 s24  }
0xc4: {  	v21 =	vnsel vm1, $0x0, v25;
	vm0 =	vgt.s32 v20, $0xFFFFFFFF;
	v25 =	vld [tilespmem:s24+$0xFFFFFFF0];
	[tilespmem:s24+$0x70] =	vst v19  }
0xc5: {  	[tilespmem:s24+$0xFFFFFF90] =	vst v21;
	v19 =	vnsel vm0, $0x0, v20;
	vm0 =	vgt.s32 v22, $0xFFFFFFFF;
	v21 =	vld [tilespmem:s24+$0x0]  }
0xc6: {  	[tilespmem:s24+$0xFFFFFFA0] =	vst v19;
	v19 =	vnsel vm0, $0x0, v22;
	vm0 =	vgt.s32 v24, $0xFFFFFFFF;
	v26 =	vld [tilespmem:s24+$0x10]  }
0xc7: {  	[tilespmem:s24+$0xFFFFFFB0] =	vst v19;
	v20 =	vnsel vm0, $0x0, v24;
	vm0 =	vgt.s32 v23, $0xFFFFFFFF;
	v19 =	vld [tilespmem:s24+$0x20]  }
.Ltmp3:
0xc8: {  	[tilespmem:s24+$0xFFFFFFC0] =	vst v20;
	v22 =	vnsel vm0, $0x0, v23;
	vm0 =	vgt.s32 v27, $0xFFFFFFFF;
	v20 =	vld [tilespmem:s24+$0x30];
	(pc) =	sbr.rel @p0 .LBB2_9-.Ltmp3, $4  }
0xc9: {  	[tilespmem:s24+$0xFFFFFFD0] =	vst v22;
	v23 =	vnsel vm0, $0x0, v27;
	vm0 =	vgt.s32 v25, $0xFFFFFFFF;
	v22 =	vld [tilespmem:s24+$0x40]  }
0xca: {  	[tilespmem:s24+$0xFFFFFFE0] =	vst v23;
	v23 =	vnsel vm0, $0x0, v25;
	vm0 =	vgt.s32 v21, $0xFFFFFFFF;
	v24 =	vld [tilespmem:s24+$0x50]  }
0xcb: {  	[tilespmem:s24+$0xFFFFFFF0] =	vst v23;
	v25 =	vnsel vm0, $0x0, v21;
	vm0 =	vgt.s32 v26, $0xFFFFFFFF;
	v23 =	vld [tilespmem:s24+$0x60]  }
0xcc: {  	s24 =	sadd.s32 $0x100, s24;
	v21 =	vld [tilespmem:s22+$0xFFFFFF80];
	[tilespmem:s22+$0x0] =	vst v25;
	v25 =	vnsel vm0, $0x0, v26;
	vm0 =	vgt.s32 v19, $0xFFFFFFFF  }
0xcd: {  	[tilespmem:s22+$0x10] =	vst v25;
	v19 =	vnsel vm0, $0x0, v19;
	vm12 =	vgt.s32 v20, $0xFFFFFFFF  }
0xce: {  	[tilespmem:s22+$0x20] =	vst v19;
	v19 =	vnsel vm12, $0x0, v20;
	vm13 =	vgt.s32 v22, $0xFFFFFFFF  }
0xcf: {  	[tilespmem:s22+$0x30] =	vst v19;
	v19 =	vnsel vm13, $0x0, v22;
	vm14 =	vgt.s32 v24, $0xFFFFFFFF  }
0xd0: {  	[tilespmem:s22+$0x40] =	vst v19;
	v19 =	vnsel vm14, $0x0, v24;
	vm15 =	vgt.s32 v23, $0xFFFFFFFF  }
0xd1: {  	vm1 =	vgt.s32 v21, $0xFFFFFFFF;
	[tilespmem:s22+$0x50] =	vst v19;
	v19 =	vnsel vm15, $0x0, v23  }
0xd2: {  	s21 =	sadd.s32 s3, s21;
	v20 =	vnsel vm1, $0x0, v21;
	[tilespmem:s22+$0x60] =	vst v19  }
0xd3: {  	s20 =	sadd.s32 s20, s21;
	[tilespmem:s22+$0xFFFFFF80] =	vst v20  }
0xd4: {  	[hbm4b:s20+s8] =	stream.strided.scatter [tilespmem:s4], [sflag:$0x3], $0x8000, s9, s8, $0x38;
	[tilespmem:$0x11000] =	vst v63  }
0xd5: {  	_ =	swait.ge [sflag:s13], $0x8000  }
0xd6: {  	[sflag:s13] =	ssyncset.done $0x0  }
0xd7: {  	s31 =	simm.s32 $0x8080;
	[sflag:s13] =	ssyncadd.s32 $0xFFFF8000  }
0xd8: {  	v19 =	vld [tilespmem:s31+$0x70]  }
0xd9: {  	v20 =	vld [tilespmem:s31+$0xFFFFFF90]  }
0xda: {  	v21 =	vld [tilespmem:s31+$0xFFFFFFA0]  }
0xdb: {  	v23 =	vld [tilespmem:s31+$0xFFFFFFC0]  }
0xdc: {  	v24 =	vld [tilespmem:s31+$0xFFFFFFD0]  }
0xdd: {  	v27 =	vld [tilespmem:s31+$0xFFFFFFE0]  }
0xde: {  	v29 =	vld [tilespmem:s31+$0xFFFFFFF0]  }
0xdf: {  	v30 =	vld [tilespmem:s31+$0x0]  }
0xe0: {  	v32 =	vld [tilespmem:s31+$0x10]  }
0xe1: {  	v34 =	vld [tilespmem:s31+$0x20]  }
0xe2: {  	v35 =	vld [tilespmem:s31+$0x30]  }
0xe3: {  	v36 =	vld [tilespmem:s31+$0x40]  }
0xe4: {  	v37 =	vld [tilespmem:s31+$0x50]  }
0xe5: {  	v38 =	vld [tilespmem:s31+$0x60]  }
0xe6: {  	v39 =	vld [tilespmem:s31+$0xFFFFFF80]  }
0xe7: {  	v25 =	vshra.s32 v19, $0x1F;
	v26 =	vshra.s32 v20, $0x1F;
	v28 =	vshra.s32 v21, $0x1F  }
0xe8: {  	v31 =	vshra.s32 v23, $0x1F;
	v33 =	vshra.s32 v24, $0x1F;
	v48 =	vshra.s32 v27, $0x1F  }
0xe9: {  	v22 =	vld [tilespmem:s31+$0xFFFFFFB0];
	v49 =	vshra.s32 v29, $0x1F;
	v50 =	vshra.s32 v30, $0x1F;
	v51 =	vshra.s32 v32, $0x1F  }
0xea: {  	v52 =	vshra.s32 v34, $0x1F;
	v53 =	vshra.s32 v35, $0x1F;
	v54 =	vshra.s32 v36, $0x1F  }
0xeb: {  	v55 =	vshra.s32 v37, $0x1F;
	v57 =	vshra.s32 v38, $0x1F;
	v58 =	vshra.s32 v39, $0x1F  }
0xec: {  	v25 =	vand.u32 $0x70000000, v25;
	v26 =	vand.u32 $0x70000000, v26;
	v31 =	vand.u32 $0x70000000, v31  }
0xed: {  	v56 =	vand.u32 $0x70000000, v55;
	v19 =	vxor.u32 v19, v25;
	v25 =	vand.u32 $0x70000000, v28  }
0xee: {  	v28 =	vshra.s32 v22, $0x1F;
	v20 =	vxor.u32 v20, v26;
	v26 =	vand.u32 $0x70000000, v33  }
0xef: {  	v23 =	vxor.u32 v23, v31;
	v31 =	vand.u32 $0x70000000, v50;
	v33 =	vand.u32 $0x70000000, v57  }
0xf0: {  	v19 =	vshrl.u32 v19, $0x1C;
	v28 =	vand.u32 $0x70000000, v28;
	v21 =	vxor.u32 v21, v25  }
0xf1: {  	v25 =	vand.u32 $0x70000000, v48;
	v24 =	vxor.u32 v24, v26;
	v26 =	vand.u32 $0x70000000, v51  }
0xf2: {  	v30 =	vxor.u32 v30, v31;
	v31 =	vand.u32 $0x70000000, v54;
	v33 =	vxor.u32 v38, v33  }
0xf3: {  	v20 =	vshrl.u32 v20, $0x1C;
	v23 =	vshrl.u32 v23, $0x1C;
	v19 =	vxor.u32 v2, v19  }
0xf4: {  	v22 =	vxor.u32 v22, v28;
	v28 =	vand.u32 $0x70000000, v49;
	v25 =	vxor.u32 v27, v25  }
0xf5: {  	v27 =	vand.u32 $0x70000000, v52;
	v26 =	vxor.u32 v32, v26;
	v31 =	vxor.u32 v36, v31  }
0xf6: {  	v32 =	vxor.u32 v37, v56;
	v21 =	vshrl.u32 v21, $0x1C;
	v24 =	vshrl.u32 v24, $0x1C  }
0xf7: {  	v60 =	vshrl.u32 v30, $0x1C;
	v41 =	vshrl.u32 v33, $0x1C;
	v33 =	vxor.u32 v2, v20  }
0xf8: {  	v30 =	vxor.u32 v2, v23;
	v19 =	vor.u32 v18, v19;
	v28 =	vxor.u32 v29, v28  }
0xf9: {  	v29 =	vand.u32 $0x70000000, v53;
	v27 =	vxor.u32 v34, v27;
	v34 =	vand.u32 $0x70000000, v58  }
0xfa: {  	v22 =	vshrl.u32 v22, $0x1C;
	v25 =	vshrl.u32 v25, $0x1C;
	v61 =	vshrl.u32 v26, $0x1C  }
0xfb: {  	v40 =	vshrl.u32 v32, $0x1C;
	v26 =	vxor.u32 v2, v60;
	v20 =	vxor.u32 v2, v41  }
0xfc: {  	v29 =	vxor.u32 v35, v29;
	v34 =	vxor.u32 v39, v34;
	v59 =	vshrl.u32 v28, $0x1C  }
0xfd: {  	v62 =	vshrl.u32 v27, $0x1C;
	v28 =	vxor.u32 v2, v25;
	v25 =	vxor.u32 v2, v61  }
0xfe: {  	v34 =	vshrl.u32 v34, $0x1C;
	v63 =	vshrl.u32 v29, $0x1C;
	v29 =	vxor.u32 v2, v22  }
0xff: {  	v27 =	vxor.u32 v2, v59;
	v32 =	vxor.u32 v2, v34;
	v34 =	vxor.u32 v2, v21  }
0x100: {  	v23 =	vxor.u32 v2, v63;
	v21 =	vxor.u32 v2, v40;
	[tilespmem:v19+s11+$0x0] =	vst.idx.msk $0xffff, v3;
	v19 =	vshrl.u32 v31, $0x1C  }
0x101: {  	s21 =	simm.s32 $0x8180;
	s20 =	simm.s32 $0x0;
	v31 =	vxor.u32 v2, v24;
	v24 =	vxor.u32 v2, v62;
	v22 =	vxor.u32 v2, v19  }
.LBB2_11:
0x102: {  	v35 =	vld [tilespmem:s21+$0x70];
	s20 =	sadd.s32 $0x10, s20;
	v19 =	vor.u32 v0, v32;
	v32 =	vor.u32 v4, v33;
	v33 =	vor.u32 v5, v34  }
0x103: {  	v29 =	vor.u32 v6, v29;
	v30 =	vor.u32 v7, v30;
	v31 =	vor.u32 v8, v31;
	v34 =	vld [tilespmem:s21+$0xFFFFFF90];
	p0 =	slt.u32 s20, $0x7F0  }
0x104: {  	v28 =	vor.u32 v9, v28;
	v27 =	vor.u32 v10, v27;
	v26 =	vor.u32 v11, v26;
	v36 =	vld [tilespmem:s21+$0xFFFFFFA0]  }
0x105: {  	v25 =	vor.u32 v12, v25;
	v24 =	vor.u32 v13, v24;
	v23 =	vor.u32 v14, v23;
	v37 =	vld [tilespmem:s21+$0xFFFFFFB0]  }
0x106: {  	v22 =	vor.u32 v15, v22;
	v21 =	vor.u32 v16, v21;
	v20 =	vor.u32 v17, v20;
	v38 =	vld [tilespmem:s21+$0xFFFFFFC0]  }
0x107: {  	v39 =	vld [tilespmem:s21+$0xFFFFFFD0];
	v40 =	vshra.s32 v35, $0x1F;
	[tilespmem:v19+s11+$0x0] =	vst.idx.msk $0xffff, v3  }
0x108: {  	v19 =	vimm.s32 $0x0;
	v41 =	vshra.s32 v34, $0x1F;
	v42 =	vld [tilespmem:s21+$0xFFFFFFE0];
	v40 =	vand.u32 $0x70000000, v40;
	[tilespmem:v32+s11+$0x0] =	vst.idx.msk $0xffff, v3  }
0x109: {  	v32 =	vand.u32 $0x70000000, v41;
	v41 =	vshra.s32 v36, $0x1F;
	v43 =	vld [tilespmem:s21+$0xFFFFFFF0];
	v35 =	vxor.u32 v35, v40;
	[tilespmem:v33+s11+$0x0] =	vst.idx.msk $0xffff, v3  }
0x10a: {  	v33 =	vand.u32 $0x70000000, v41;
	v40 =	vshra.s32 v37, $0x1F;
	v41 =	vld [tilespmem:s21+$0x0];
	v35 =	vshrl.u32 v35, $0x1C;
	[tilespmem:v29+s11+$0x0] =	vst.idx.msk $0xffff, v3  }
0x10b: {  	v29 =	vand.u32 $0x70000000, v40;
	v40 =	vshra.s32 v38, $0x1F;
	v44 =	vld [tilespmem:s21+$0x10];
	v35 =	vxor.u32 v2, v35;
	[tilespmem:v30+s11+$0x0] =	vst.idx.msk $0xffff, v3  }
0x10c: {  	v30 =	vand.u32 $0x70000000, v40;
	v40 =	vshra.s32 v39, $0x1F;
	v45 =	vld [tilespmem:s21+$0x20];
	v35 =	vor.u32 v18, v35;
	[tilespmem:v31+s11+$0x0] =	vst.idx.msk $0xffff, v3  }
0x10d: {  	v31 =	vxor.u32 v34, v32;
	v32 =	vand.u32 $0x70000000, v40;
	v34 =	vshra.s32 v42, $0x1F;
	v40 =	vld [tilespmem:s21+$0x30];
	[tilespmem:v28+s11+$0x0] =	vst.idx.msk $0xffff, v3  }
0x10e: {  	v28 =	vxor.u32 v36, v33;
	v33 =	vand.u32 $0x70000000, v34;
	v34 =	vshra.s32 v43, $0x1F;
	v36 =	vld [tilespmem:s21+$0x40];
	[tilespmem:v27+s11+$0x0] =	vst.idx.msk $0xffff, v3  }
0x10f: {  	v27 =	vxor.u32 v37, v29;
	v29 =	vand.u32 $0x70000000, v34;
	v34 =	vshra.s32 v41, $0x1F;
	v37 =	vld [tilespmem:s21+$0x50];
	[tilespmem:v26+s11+$0x0] =	vst.idx.msk $0xffff, v3  }
0x110: {  	v26 =	vxor.u32 v38, v30;
	v30 =	vand.u32 $0x70000000, v34;
	v34 =	vshra.s32 v44, $0x1F;
	v38 =	vld [tilespmem:s21+$0x60];
	[tilespmem:v25+s11+$0x0] =	vst.idx.msk $0xffff, v3  }
0x111: {  	v32 =	vxor.u32 v39, v32;
	v25 =	vld [tilespmem:s21+$0xFFFFFF80];
	v34 =	vand.u32 $0x70000000, v34;
	v39 =	vshra.s32 v45, $0x1F;
	[tilespmem:v35+s11+$0x0] =	vst.idx.msk $0xffff, v3  }
0x112: {  	v33 =	vxor.u32 v42, v33;
	v35 =	vand.u32 $0x70000000, v39;
	v39 =	vshra.s32 v40, $0x1F;
	[tilespmem:v24+s11+$0x0] =	vst.idx.msk $0xffff, v3  }
0x113: {  	v24 =	vxor.u32 v43, v29;
	v29 =	vand.u32 $0x70000000, v39;
	v39 =	vshra.s32 v36, $0x1F;
	[tilespmem:v23+s11+$0x0] =	vst.idx.msk $0xffff, v3  }
0x114: {  	v23 =	vxor.u32 v41, v30;
	v30 =	vand.u32 $0x70000000, v39;
	v39 =	vshra.s32 v37, $0x1F;
	[tilespmem:v22+s11+$0x0] =	vst.idx.msk $0xffff, v3  }
0x115: {  	v22 =	vxor.u32 v44, v34;
	v34 =	vand.u32 $0x70000000, v39;
	v39 =	vshra.s32 v38, $0x1F;
	[tilespmem:v21+s11+$0x0] =	vst.idx.msk $0xffff, v3  }
0x116: {  	v35 =	vxor.u32 v45, v35;
	v21 =	vshra.s32 v25, $0x1F;
	v39 =	vand.u32 $0x70000000, v39;
	[tilespmem:v20+s11+$0x0] =	vst.idx.msk $0xffff, v3  }
0x117: {  	v20 =	vand.u32 $0x70000000, v21;
	v21 =	vxor.u32 v40, v29;
	v29 =	vxor.u32 v36, v30  }
0x118: {  	v30 =	vxor.u32 v38, v39;
	v20 =	vxor.u32 v25, v20;
	v25 =	vxor.u32 v37, v34  }
0x119: {  	v31 =	vshrl.u32 v31, $0x1C;
	v28 =	vshrl.u32 v28, $0x1C;
	v20 =	vshrl.u32 v20, $0x1C  }
0x11a: {  	v27 =	vshrl.u32 v27, $0x1C;
	v26 =	vshrl.u32 v26, $0x1C;
	v36 =	vshrl.u32 v32, $0x1C  }
0x11b: {  	v24 =	vshrl.u32 v24, $0x1C;
	v23 =	vshrl.u32 v23, $0x1C;
	v37 =	vshrl.u32 v33, $0x1C  }
0x11c: {  	v35 =	vshrl.u32 v35, $0x1C;
	v22 =	vshrl.u32 v22, $0x1C;
	v21 =	vshrl.u32 v21, $0x1C  }
0x11d: {  	v38 =	vshrl.u32 v29, $0x1C;
	v40 =	vshrl.u32 v30, $0x1C;
	v39 =	vshrl.u32 v25, $0x1C  }
.Ltmp4:
0x11e: {  	v33 =	vxor.u32 v2, v31;
	v34 =	vxor.u32 v2, v28;
	v32 =	vxor.u32 v2, v20;
	(pc) =	sbr.rel @p0 .LBB2_11-.Ltmp4, $4  }
0x11f: {  	v29 =	vxor.u32 v2, v27;
	v30 =	vxor.u32 v2, v26;
	v31 =	vxor.u32 v2, v36  }
0x120: {  	v27 =	vxor.u32 v2, v24;
	v26 =	vxor.u32 v2, v23;
	v28 =	vxor.u32 v2, v37  }
0x121: {  	v24 =	vxor.u32 v2, v35;
	v25 =	vxor.u32 v2, v22;
	v23 =	vxor.u32 v2, v21  }
0x122: {  	s21 =	sadd.s32 $0x100, s21;
	v22 =	vxor.u32 v2, v38;
	v21 =	vxor.u32 v2, v39;
	v20 =	vxor.u32 v2, v40  }
0x123: {  	v32 =	vor.u32 v0, v32  }
0x124: {  	v33 =	vor.u32 v4, v33  }
0x125: {  	v34 =	vor.u32 v5, v34  }
0x126: {  	v29 =	vor.u32 v6, v29  }
0x127: {  	v30 =	vor.u32 v7, v30  }
0x128: {  	v31 =	vor.u32 v8, v31;
	[tilespmem:v32+s11+$0x0] =	vst.idx.msk $0xffff, v3  }
0x129: {  	v28 =	vor.u32 v9, v28;
	[tilespmem:v33+s11+$0x0] =	vst.idx.msk $0xffff, v3  }
0x12a: {  	v27 =	vor.u32 v10, v27;
	[tilespmem:v34+s11+$0x0] =	vst.idx.msk $0xffff, v3  }
0x12b: {  	v26 =	vor.u32 v11, v26;
	[tilespmem:v29+s11+$0x0] =	vst.idx.msk $0xffff, v3  }
0x12c: {  	v25 =	vor.u32 v12, v25;
	[tilespmem:v30+s11+$0x0] =	vst.idx.msk $0xffff, v3  }
0x12d: {  	v24 =	vor.u32 v13, v24;
	[tilespmem:v31+s11+$0x0] =	vst.idx.msk $0xffff, v3  }
0x12e: {  	v23 =	vor.u32 v14, v23;
	[tilespmem:v28+s11+$0x0] =	vst.idx.msk $0xffff, v3  }
0x12f: {  	v22 =	vor.u32 v15, v22;
	[tilespmem:v27+s11+$0x0] =	vst.idx.msk $0xffff, v3  }
0x130: {  	v21 =	vor.u32 v16, v21;
	[tilespmem:v26+s11+$0x0] =	vst.idx.msk $0xffff, v3  }
0x131: {  	v20 =	vor.u32 v17, v20;
	[tilespmem:v25+s11+$0x0] =	vst.idx.msk $0xffff, v3  }
0x132: {  	[tilespmem:v24+s11+$0x0] =	vst.idx.msk $0xffff, v3  }
0x133: {  	[tilespmem:v23+s11+$0x0] =	vst.idx.msk $0xffff, v3  }
0x134: {  	[tilespmem:v22+s11+$0x0] =	vst.idx.msk $0xffff, v3  }
0x135: {  	[tilespmem:v21+s11+$0x0] =	vst.idx.msk $0xffff, v3  }
0x136: {  	s22 =	simm.s32 $0x0;
	[tilespmem:v20+s11+$0x0] =	vst.idx.msk $0xffff, v3  }
0x137: {  	v20 =	vld [tilespmem:s22+$0x10000];
	[tilespmem:s22+$0x10000] =	vst v1  }
0x138: {  	v21 =	vld [tilespmem:s22+$0x10010];
	[tilespmem:s22+$0x10010] =	vst v1  }
0x139: {  	v22 =	vld [tilespmem:s22+$0x10020];
	[tilespmem:s22+$0x10020] =	vst v1  }
0x13a: {  	v23 =	vld [tilespmem:s22+$0x10030];
	[tilespmem:s22+$0x10030] =	vst v1  }
0x13b: {  	v24 =	vld [tilespmem:s22+$0x10040];
	[tilespmem:s22+$0x10040] =	vst v1  }
0x13c: {  	v25 =	vld [tilespmem:s22+$0x10050];
	[tilespmem:s22+$0x10050] =	vst v1;
	v19 =	vadd.s32 v19, v20  }
0x13d: {  	v20 =	vld [tilespmem:s22+$0x10060];
	[tilespmem:s22+$0x10060] =	vst v1;
	v19 =	vadd.s32 v21, v19  }
0x13e: {  	v21 =	vld [tilespmem:s22+$0x10070];
	[tilespmem:s22+$0x10070] =	vst v1;
	v19 =	vadd.s32 v22, v19  }
0x13f: {  	v22 =	vld [tilespmem:s22+$0x10080];
	[tilespmem:s22+$0x10080] =	vst v1;
	v19 =	vadd.s32 v23, v19  }
0x140: {  	v23 =	vld [tilespmem:s22+$0x10090];
	[tilespmem:s22+$0x10090] =	vst v1;
	v19 =	vadd.s32 v24, v19  }
0x141: {  	v24 =	vld [tilespmem:s22+$0x100A0];
	[tilespmem:s22+$0x100A0] =	vst v1;
	v25 =	vadd.s32 v25, v19  }
0x142: {  	v19 =	vld [tilespmem:s22+$0x100B0];
	[tilespmem:s22+$0x100B0] =	vst v1;
	v25 =	vadd.s32 v20, v25  }
0x143: {  	v20 =	vld [tilespmem:s22+$0x100C0];
	[tilespmem:s22+$0x100C0] =	vst v1;
	v25 =	vadd.s32 v21, v25  }
0x144: {  	v21 =	vld [tilespmem:s22+$0x100D0];
	[tilespmem:s22+$0x100D0] =	vst v1;
	v25 =	vadd.s32 v22, v25  }
0x145: {  	v22 =	vld [tilespmem:s22+$0x100E0];
	[tilespmem:s22+$0x100E0] =	vst v1;
	v25 =	vadd.s32 v23, v25  }
0x146: {  	s20 =	simm.s32 $0x100;
	s21 =	simm.s32 $0x800;
	v23 =	vld [tilespmem:s22+$0x100F0];
	[tilespmem:s22+$0x100F0] =	vst v1;
	v24 =	vadd.s32 v24, v25  }
.LBB2_13:
0x147: {  	p0 =	sne.s32 s21, $0x3C00;
	v25 =	vld [tilespmem:s20+$0x10000];
	[tilespmem:s20+$0x10000] =	vst v1;
	v19 =	vadd.s32 v19, v24  }
0x148: {  	v24 =	vld [tilespmem:s20+$0x10010];
	[tilespmem:s20+$0x10010] =	vst v1;
	v19 =	vadd.s32 v20, v19  }
0x149: {  	v20 =	vld [tilespmem:s20+$0x10020];
	[tilespmem:s20+$0x10020] =	vst v1;
	v19 =	vadd.s32 v21, v19  }
0x14a: {  	v21 =	vld [tilespmem:s20+$0x10030];
	[tilespmem:s20+$0x10030] =	vst v1;
	v19 =	vadd.s32 v22, v19  }
0x14b: {  	v22 =	vld [tilespmem:s20+$0x10040];
	[tilespmem:s20+$0x10040] =	vst v1;
	v19 =	vadd.s32 v23, v19  }
0x14c: {  	v19 =	vadd.s32 v19, v25;
	v23 =	vld [tilespmem:s20+$0x10050];
	[tilespmem:s20+$0x10050] =	vst v1  }
0x14d: {  	v19 =	vadd.s32 v24, v19;
	v24 =	vld [tilespmem:s20+$0x10060];
	[tilespmem:s20+$0x10060] =	vst v1  }
0x14e: {  	v19 =	vadd.s32 v20, v19;
	v20 =	vld [tilespmem:s20+$0x10070];
	[tilespmem:s20+$0x10070] =	vst v1  }
0x14f: {  	v19 =	vadd.s32 v21, v19;
	v21 =	vld [tilespmem:s20+$0x10080];
	[tilespmem:s20+$0x10080] =	vst v1  }
0x150: {  	v19 =	vadd.s32 v22, v19;
	v22 =	vld [tilespmem:s20+$0x10090];
	[tilespmem:s20+$0x10090] =	vst v1  }
0x151: {  	v19 =	vadd.s32 v23, v19;
	v23 =	vld [tilespmem:s20+$0x100A0];
	[tilespmem:s20+$0x100A0] =	vst v1  }
.Ltmp5:
0x152: {  	v24 =	vadd.s32 v24, v19;
	v19 =	vld [tilespmem:s20+$0x100B0];
	[tilespmem:s20+$0x100B0] =	vst v1;
	(pc) =	sbr.rel @p0 .LBB2_13-.Ltmp5, $4  }
0x153: {  	v24 =	vadd.s32 v20, v24;
	v20 =	vld [tilespmem:s20+$0x100C0];
	[tilespmem:s20+$0x100C0] =	vst v1  }
0x154: {  	v24 =	vadd.s32 v21, v24;
	v21 =	vld [tilespmem:s20+$0x100D0];
	[tilespmem:s20+$0x100D0] =	vst v1  }
0x155: {  	v24 =	vadd.s32 v22, v24;
	v22 =	vld [tilespmem:s20+$0x100E0];
	[tilespmem:s20+$0x100E0] =	vst v1  }
0x156: {  	v24 =	vadd.s32 v23, v24;
	v23 =	vld [tilespmem:s20+$0x100F0];
	[tilespmem:s20+$0x100F0] =	vst v1;
	s20 =	sshra.s32 s21, $0x2;
	s21 =	sadd.s32 $0x400, s21  }
0x157: {  	[tilespmem:s20+$0x10000] =	vst v1  }
0x158: {  	[tilespmem:s20+$0x10010] =	vst v1  }
0x159: {  	[tilespmem:s20+$0x10020] =	vst v1  }
0x15a: {  	[tilespmem:s20+$0x10030] =	vst v1  }
0x15b: {  	[tilespmem:s20+$0x10040] =	vst v1  }
0x15c: {  	[tilespmem:s20+$0x10050] =	vst v1  }
0x15d: {  	[tilespmem:s20+$0x10060] =	vst v1  }
0x15e: {  	[tilespmem:s20+$0x10070] =	vst v1  }
0x15f: {  	[tilespmem:s20+$0x10080] =	vst v1  }
0x160: {  	[tilespmem:s20+$0x10090] =	vst v1  }
0x161: {  	[tilespmem:s20+$0x100A0] =	vst v1  }
0x162: {  	[tilespmem:s20+$0x100B0] =	vst v1  }
0x163: {  	[tilespmem:s20+$0x100C0] =	vst v1  }
0x164: {  	[tilespmem:s20+$0x100D0] =	vst v1  }
0x165: {  	p0 =	seq.s32 s17, $0xF;
	[tilespmem:s20+$0x100E0] =	vst v1  }
0x166: {  	[tilespmem:s20+$0x100F0] =	vst v1;
	s19 =	sadd.s32 @!p0 $0x2, s19;
	s20 =	simm.s32 @!p0 $0x3  }
0x167: {  	s22 =	simm.s32 @!p0 $0x0;
	s21 =	sshll.u32 @!p0 s19, $0x4;
	_ =	swait.ge @!p0 [sflag:s20], $0x8000  }
0x168: {  	s19 =	sshll.u32 @!p0 s19, $0xC;
	s21 =	sand.u32 @!p0 $0x60, s21;
	[sflag:s20] =	ssyncset.done @!p0 $0x0  }
0x169: {  	s19 =	sand.u32 @!p0 $0xFFF8000, s19;
	s21 =	sadd.s32 @!p0 s1, s21;
	[sflag:s20] =	ssyncadd.s32 @!p0 $0xFFFF8000  }
0x16a: {  	s20 =	simm.s32 @!p0 $0x80;
	s19 =	sadd.s32 @!p0 s19, s21;
	s21 =	simm.s32 @!p0 $0x400  }
0x16b: {  	[tilespmem:s22], [sflag:$0x1] =	stream.strided.gather @!p0 [hbm4b:s19+s20], $0x8000, s21, s20, $0x38;
	[tilespmem:$0x11000] =	vst v63  }
0x16c: {  	s19 =	simm.s32 $0x8080  }
0x16d: {  	v19 =	vld [tilespmem:s19+$0x70]  }
0x16e: {  	v20 =	vld [tilespmem:s19+$0xFFFFFF90]  }
0x16f: {  	v21 =	vld [tilespmem:s19+$0xFFFFFFA0]  }
0x170: {  	v22 =	vld [tilespmem:s19+$0xFFFFFFB0]  }
0x171: {  	v23 =	vld [tilespmem:s19+$0xFFFFFFC0]  }
0x172: {  	v24 =	vld [tilespmem:s19+$0xFFFFFFD0];
	vm0 =	vgt.s32 v19, $0xFFFFFFFF  }
0x173: {  	v25 =	vld [tilespmem:s19+$0xFFFFFFE0];
	vm1 =	vgt.s32 v20, $0xFFFFFFFF;
	v19 =	vnsel vm0, $0x0, v19  }
0x174: {  	v26 =	vld [tilespmem:s19+$0xFFFFFFF0];
	v20 =	vnsel vm1, $0x0, v20;
	vm0 =	vgt.s32 v21, $0xFFFFFFFF;
	[tilespmem:s19+$0x70] =	vst v19  }
0x175: {  	[tilespmem:s19+$0xFFFFFF90] =	vst v20;
	v19 =	vnsel vm0, $0x0, v21;
	vm0 =	vgt.s32 v22, $0xFFFFFFFF;
	v21 =	vld [tilespmem:s19+$0x0]  }
0x176: {  	v27 =	vld [tilespmem:s19+$0x10];
	[tilespmem:s19+$0xFFFFFFA0] =	vst v19;
	v19 =	vnsel vm0, $0x0, v22;
	vm0 =	vgt.s32 v23, $0xFFFFFFFF  }
0x177: {  	[tilespmem:s19+$0xFFFFFFB0] =	vst v19;
	v20 =	vnsel vm0, $0x0, v23;
	vm0 =	vgt.s32 v24, $0xFFFFFFFF;
	v19 =	vld [tilespmem:s19+$0x20]  }
0x178: {  	[tilespmem:s19+$0xFFFFFFC0] =	vst v20;
	v22 =	vnsel vm0, $0x0, v24;
	vm0 =	vgt.s32 v25, $0xFFFFFFFF;
	v20 =	vld [tilespmem:s19+$0x30]  }
0x179: {  	[tilespmem:s19+$0xFFFFFFD0] =	vst v22;
	v23 =	vnsel vm0, $0x0, v25;
	vm0 =	vgt.s32 v26, $0xFFFFFFFF;
	v22 =	vld [tilespmem:s19+$0x40]  }
0x17a: {  	v24 =	vld [tilespmem:s19+$0x50];
	[tilespmem:s19+$0xFFFFFFE0] =	vst v23;
	v23 =	vnsel vm0, $0x0, v26;
	vm0 =	vgt.s32 v21, $0xFFFFFFFF  }
0x17b: {  	[tilespmem:s19+$0xFFFFFFF0] =	vst v23;
	v25 =	vnsel vm0, $0x0, v21;
	vm0 =	vgt.s32 v27, $0xFFFFFFFF;
	v23 =	vld [tilespmem:s19+$0x60]  }
0x17c: {  	s20 =	simm.s32 $0x0;
	s21 =	simm.s32 $0x8180;
	v21 =	vld [tilespmem:s19+$0xFFFFFF80];
	[tilespmem:s19+$0x0] =	vst v25;
	v25 =	vnsel vm0, $0x0, v27;
	vm0 =	vgt.s32 v19, $0xFFFFFFFF  }
.LBB2_15:
0x17d: {  	v26 =	vld [tilespmem:s21+$0x70];
	s20 =	sadd.s32 $0x10, s20;
	[tilespmem:s19+$0x10] =	vst v25;
	v19 =	vnsel vm0, $0x0, v19;
	vm0 =	vgt.s32 v20, $0xFFFFFFFF  }
0x17e: {  	v25 =	vld [tilespmem:s21+$0xFFFFFF90];
	p0 =	slt.u32 s20, $0x7F0;
	[tilespmem:s19+$0x20] =	vst v19;
	v19 =	vnsel vm0, $0x0, v20;
	vm0 =	vgt.s32 v22, $0xFFFFFFFF  }
0x17f: {  	v20 =	vld [tilespmem:s21+$0xFFFFFFA0];
	[tilespmem:s19+$0x30] =	vst v19;
	v19 =	vnsel vm0, $0x0, v22;
	vm0 =	vgt.s32 v24, $0xFFFFFFFF  }
0x180: {  	v22 =	vld [tilespmem:s21+$0xFFFFFFB0];
	[tilespmem:s19+$0x40] =	vst v19;
	v19 =	vnsel vm0, $0x0, v24;
	vm0 =	vgt.s32 v23, $0xFFFFFFFF  }
0x181: {  	v24 =	vld [tilespmem:s21+$0xFFFFFFC0];
	vm1 =	vgt.s32 v21, $0xFFFFFFFF;
	[tilespmem:s19+$0x50] =	vst v19;
	v19 =	vnsel vm0, $0x0, v23  }
0x182: {  	v23 =	vld [tilespmem:s21+$0xFFFFFFD0];
	vm0 =	vgt.s32 v26, $0xFFFFFFFF;
	v21 =	vnsel vm1, $0x0, v21;
	[tilespmem:s19+$0x60] =	vst v19  }
0x183: {  	vm1 =	vgt.s32 v25, $0xFFFFFFFF;
	v27 =	vld [tilespmem:s21+$0xFFFFFFE0];
	v19 =	vnsel vm0, $0x0, v26;
	[tilespmem:s19+$0xFFFFFF80] =	vst v21;
	s19 =	smov.u32 s21  }
0x184: {  	v21 =	vnsel vm1, $0x0, v25;
	vm0 =	vgt.s32 v20, $0xFFFFFFFF;
	v25 =	vld [tilespmem:s21+$0xFFFFFFF0];
	[tilespmem:s21+$0x70] =	vst v19  }
0x185: {  	[tilespmem:s21+$0xFFFFFF90] =	vst v21;
	v19 =	vnsel vm0, $0x0, v20;
	vm0 =	vgt.s32 v22, $0xFFFFFFFF;
	v21 =	vld [tilespmem:s21+$0x0]  }
0x186: {  	[tilespmem:s21+$0xFFFFFFA0] =	vst v19;
	v19 =	vnsel vm0, $0x0, v22;
	vm0 =	vgt.s32 v24, $0xFFFFFFFF;
	v26 =	vld [tilespmem:s21+$0x10]  }
0x187: {  	[tilespmem:s21+$0xFFFFFFB0] =	vst v19;
	v20 =	vnsel vm0, $0x0, v24;
	vm0 =	vgt.s32 v23, $0xFFFFFFFF;
	v19 =	vld [tilespmem:s21+$0x20]  }
.Ltmp6:
0x188: {  	[tilespmem:s21+$0xFFFFFFC0] =	vst v20;
	v22 =	vnsel vm0, $0x0, v23;
	vm0 =	vgt.s32 v27, $0xFFFFFFFF;
	v20 =	vld [tilespmem:s21+$0x30];
	(pc) =	sbr.rel @p0 .LBB2_15-.Ltmp6, $4  }
0x189: {  	[tilespmem:s21+$0xFFFFFFD0] =	vst v22;
	v23 =	vnsel vm0, $0x0, v27;
	vm0 =	vgt.s32 v25, $0xFFFFFFFF;
	v22 =	vld [tilespmem:s21+$0x40]  }
0x18a: {  	[tilespmem:s21+$0xFFFFFFE0] =	vst v23;
	v23 =	vnsel vm0, $0x0, v25;
	vm0 =	vgt.s32 v21, $0xFFFFFFFF;
	v24 =	vld [tilespmem:s21+$0x50]  }
0x18b: {  	[tilespmem:s21+$0xFFFFFFF0] =	vst v23;
	v25 =	vnsel vm0, $0x0, v21;
	vm0 =	vgt.s32 v26, $0xFFFFFFFF;
	v23 =	vld [tilespmem:s21+$0x60]  }
0x18c: {  	s21 =	sadd.s32 $0x100, s21;
	v21 =	vld [tilespmem:s19+$0xFFFFFF80];
	[tilespmem:s19+$0x0] =	vst v25;
	v25 =	vnsel vm0, $0x0, v26;
	vm0 =	vgt.s32 v19, $0xFFFFFFFF  }
0x18d: {  	[tilespmem:s19+$0x10] =	vst v25;
	v19 =	vnsel vm0, $0x0, v19;
	vm12 =	vgt.s32 v20, $0xFFFFFFFF  }
0x18e: {  	s17 =	sadd.s32 $0x1, s17;
	[tilespmem:s19+$0x20] =	vst v19;
	v19 =	vnsel vm12, $0x0, v20;
	vm13 =	vgt.s32 v22, $0xFFFFFFFF  }
0x18f: {  	p0 =	sne.s32 s17, $0x10;
	[tilespmem:s19+$0x30] =	vst v19;
	v19 =	vnsel vm13, $0x0, v22;
	vm14 =	vgt.s32 v24, $0xFFFFFFFF  }
.Ltmp7:
0x190: {  	[tilespmem:s19+$0x40] =	vst v19;
	v19 =	vnsel vm14, $0x0, v24;
	vm15 =	vgt.s32 v23, $0xFFFFFFFF;
	(pc) =	sbr.rel @p0 .LBB2_4-.Ltmp7, $4  }
0x191: {  	vm1 =	vgt.s32 v21, $0xFFFFFFFF;
	[tilespmem:s19+$0x50] =	vst v19;
	v19 =	vnsel vm15, $0x0, v23  }
0x192: {  	v20 =	vnsel vm1, $0x0, v21;
	[tilespmem:s19+$0x60] =	vst v19  }
0x193: {  	s18 =	sadd.s32 s3, s18;
	[tilespmem:s19+$0xFFFFFF80] =	vst v20  }
0x194: {  	[hbm4b:s18+s8] =	stream.strided.scatter [tilespmem:s12], [sflag:$0x4], $0x8000, s9, s8, $0x38;
	[tilespmem:$0x11000] =	vst v63  }
0x195: {  	s16 =	sadd.s32 $0x1, s16  }
0x196: {  	_ =	swait.ge [sflag:s14], $0x8000;
	p0 =	sne.s32 s16, s7  }
.Ltmp8:
0x197: {  	[sflag:s14] =	ssyncset.done $0x0;
	(pc) =	sbr.rel @p0 .LBB2_1-.Ltmp8, $4  }
0x198: {  	[sflag:s14] =	ssyncadd.s32 $0xFFFF8000  }
0x199: {  	_ =	swait.ge [sflag:s15], $0x8000  }
0x19a: {  	[sflag:s15] =	ssyncset.done $0x0  }
0x19b: {  	[sflag:s15] =	ssyncadd.s32 $0xFFFF8000  }
0x19c: {  	_ =	sfence.sel $0x180000  }
0x19d: {  	[bflag:$0x0] =	sbarrier.arrive $0xFFFF  }
0x19e: {  	p0 =	sne.s32 s2, $0x0;
	_ =	strace $0x90000047  }
0x19f: {  	s0 =	sadd.s32 @!p0 $0x100000, s0;
	[bflag:$0x2] =	sbarrier.arrive $0xFFFF  }
0x1a0: {  	[sflag:s0] =	ssyncadd.tile.s32 @!p0 $0x1;
	_ =	shalt  }
.Lfunc_end2:
_tile_overlayer_lowered:
.L_overlay_start_2:
0x1a1: {  	(tag) =	ssettag $0x2  }
0x1a2: {  	s0 =	rddreg [dreg:$0x0];
	s2 =	stileid.u32  }
0x1a3: {  	s1 =	rddreg [dreg:$0x1];
	p0 =	sne.s32 s2, $0x0  }
0x1a4: {  	s3 =	rddreg [dreg:$0x2];
	[bflag:$0x3] =	sbarrier.arrive $0xFFFF;
	s2 =	simm.s32 @!p0 $0x1C05  }
0x1a5: {  	[timem:s3], [sflag:s2] =	dma.local @!p0 [hbm:s0], s1  }
0x1a6: {  	s0 =	simm.s32 @!p0 $0x5  }
0x1a7: {  	_ =	swait.ge @!p0 [sflag:s0], s1  }
0x1a8: {  	s1 =	ssub.s32 @!p0 $0x0, s1;
	[sflag:s0] =	ssyncset.done @!p0 $0x0  }
0x1a9: {  	[sflag:s0] =	ssyncadd.s32 @!p0 s1  }
0x1aa: {  	[bflag:$0x3] =	sbarrier.arrive $0xFFFF  }
0x1ab: {  	_ =	shalt  }

</sc_bundles>
